<compile_context>
chip_gen: v7x
topology: tpu7x:2x2x1
jax: 0.10.2.dev20260603
libtpu: 0.0.44.dev20260713+nightly
codegen_flags: <defaults>
</compile_context>

<pallas_src>
import functools

import jax
import jax.numpy as jnp
from jax import lax
from jax.experimental import pallas as pl
from jax.experimental.pallas import tpu as pltpu
from jax.experimental.pallas import tpu_sc as plsc

NN = 10000
DD = 128
HH = 128
NC = 2
NS = 16
LL = 16
NW = NC * NS
CC = 128
KK = 80
GK = 16
HC = 64
EPAD = NW * KK * CC
NPAD = 10112
RPT = NPAD // NS
BB = 1000
GRID = NN // BB


def _relu(x):
    return jnp.maximum(x, 0.0)


def _full_spec(shape):
    return pl.BlockSpec(shape, lambda i: tuple(0 for _ in shape))


def _make_sc_aggregate():
    mesh = plsc.VectorSubcoreMesh(core_axis_name="c", subcore_axis_name="s")

    @functools.partial(
        pl.kernel,
        out_type=jax.ShapeDtypeStruct((NC, NPAD, HH), jnp.float32),
        mesh=mesh,
        scratch_types=[
            pltpu.VMEM((GK, CC), jnp.int32),
            pltpu.VMEM((GK, CC), jnp.int32),
            pltpu.VMEM((HC, HH), jnp.float32),
            pltpu.VMEM((HC, HH), jnp.float32),
            pltpu.VMEM((HC, HH), jnp.float32),
            pltpu.VMEM((HC, HH), jnp.float32),
            pltpu.VMEM_SHARED((NPAD, HH), jnp.float32),
            pltpu.SemaphoreType.DMA,
            pltpu.SemaphoreType.DMA,
            pltpu.SemaphoreType.DMA,
            pltpu.SemaphoreType.DMA,
        ],
    )
    def sc_fn(m_hbm, src_hbm, dst_hbm, out_hbm,
              src_v, dst_v, buf0, buf1, buf2, buf3, aggr_sh,
              sem0, sem1, sem2, sem3):
        bufs = (buf0, buf1, buf2, buf3)
        sems = (sem0, sem1, sem2, sem3)
        c = lax.axis_index("c")
        s = lax.axis_index("s")
        wid = s * NC + c

        def _zrow(i, carry):
            for jj in range(HH // LL):
                buf0[i, pl.ds(jj * LL, LL)] = jnp.zeros((LL,), jnp.float32)
            return carry

        lax.fori_loop(0, HC, _zrow, 0)
        base = s * RPT
        for t in range(RPT // HC):
            pltpu.sync_copy(buf0, aggr_sh.at[pl.ds(base + t * HC, HC)])
        rem = RPT % HC
        if rem:
            pltpu.sync_copy(buf0.at[pl.ds(0, rem)],
                            aggr_sh.at[pl.ds(base + (RPT // HC) * HC, rem)])
        plsc.subcore_barrier()

        nq = 2 * GK // 4

        def _sidx(q, t):
            return src_v.at[2 * q + t // 2, pl.ds((t % 2) * HC, HC)]

        def _didx(q, t):
            return dst_v.at[2 * q + t // 2, pl.ds((t % 2) * HC, HC)]

        def _group(gi, carry):
            pltpu.sync_copy(src_hbm.at[wid, pl.ds(gi * GK, GK)], src_v)
            pltpu.sync_copy(dst_hbm.at[wid, pl.ds(gi * GK, GK)], dst_v)
            for t in range(4):
                pltpu.async_copy(m_hbm.at[_sidx(0, t)], bufs[t], sems[t])

            def _quad(q, c2):
                for t in range(4):
                    pltpu.make_async_copy(m_hbm.at[_sidx(q, t)], bufs[t],
                                          sems[t]).wait()
                    pltpu.sync_copy(bufs[t], aggr_sh.at[_didx(q, t)], add=True)

                    @pl.when(q + 1 < nq)
                    def _start_next():
                        pltpu.async_copy(m_hbm.at[_sidx(q + 1, t)], bufs[t],
                                         sems[t])
                return c2

            lax.fori_loop(0, nq, _quad, 0)
            return carry

        lax.fori_loop(0, KK // GK, _group, 0)
        plsc.subcore_barrier()
        pltpu.sync_copy(aggr_sh.at[pl.ds(base, RPT)],
                        out_hbm.at[c, pl.ds(base, RPT)])

    return sc_fn


_sc_aggregate = _make_sc_aggregate()


def _tc_stage1(x, W_in, b_in, W_msg, b_msg):
    def body(x_ref, wi, bi, wm, bm, h_ref, m_ref):
        h = _relu(jnp.dot(x_ref[...], wi[...],
                          preferred_element_type=jnp.float32) + bi[...])
        h_ref[...] = h
        m_ref[...] = _relu(jnp.dot(h, wm[...],
                                   preferred_element_type=jnp.float32) + bm[...])

    return pl.pallas_call(
        body,
        grid=(GRID,),
        in_specs=[pl.BlockSpec((BB, DD), lambda i: (i, 0)),
                  _full_spec((DD, HH)), _full_spec((1, HH)),
                  _full_spec((HH, HH)), _full_spec((1, HH))],
        out_specs=[pl.BlockSpec((BB, HH), lambda i: (i, 0)),
                   pl.BlockSpec((BB, HH), lambda i: (i, 0))],
        out_shape=[jax.ShapeDtypeStruct((NN, HH), jnp.float32)] * 2,
    )(x, W_in, b_in.reshape(1, HH), W_msg, b_msg.reshape(1, HH))


def _tc_stage2(h, parts, Wua, Wub, bu, W_msg, b_msg):
    def body(h_ref, p0, p1, wa, wb, b_, wm, bm, h1_ref, m2_ref):
        aggr = p0[0] + p1[0]
        h1 = _relu(jnp.dot(h_ref[...], wa[...], preferred_element_type=jnp.float32)
                   + jnp.dot(aggr, wb[...], preferred_element_type=jnp.float32)
                   + b_[...])
        h1_ref[...] = h1
        m2_ref[...] = _relu(jnp.dot(h1, wm[...],
                                    preferred_element_type=jnp.float32) + bm[...])

    part_spec0 = pl.BlockSpec((1, BB, HH), lambda i: (0, i, 0))
    part_spec1 = pl.BlockSpec((1, BB, HH), lambda i: (1, i, 0))
    return pl.pallas_call(
        body,
        grid=(GRID,),
        in_specs=[pl.BlockSpec((BB, HH), lambda i: (i, 0)),
                  part_spec0, part_spec1,
                  _full_spec((HH, HH)), _full_spec((HH, HH)), _full_spec((1, HH)),
                  _full_spec((HH, HH)), _full_spec((1, HH))],
        out_specs=[pl.BlockSpec((BB, HH), lambda i: (i, 0)),
                   pl.BlockSpec((BB, HH), lambda i: (i, 0))],
        out_shape=[jax.ShapeDtypeStruct((NN, HH), jnp.float32)] * 2,
    )(h, parts, parts, Wua, Wub, bu.reshape(1, HH), W_msg, b_msg.reshape(1, HH))


def _tc_stage3(h, parts, Wua, Wub, bu, W_out_pad, b_out_pad):
    def body(h_ref, p0, p1, wa, wb, b_, wo, bo, out_ref):
        aggr = p0[0] + p1[0]
        h2 = _relu(jnp.dot(h_ref[...], wa[...], preferred_element_type=jnp.float32)
                   + jnp.dot(aggr, wb[...], preferred_element_type=jnp.float32)
                   + b_[...])
        out_ref[...] = jnp.dot(h2, wo[...],
                               preferred_element_type=jnp.float32) + bo[...]

    part_spec0 = pl.BlockSpec((1, BB, HH), lambda i: (0, i, 0))
    part_spec1 = pl.BlockSpec((1, BB, HH), lambda i: (1, i, 0))
    return pl.pallas_call(
        body,
        grid=(GRID,),
        in_specs=[pl.BlockSpec((BB, HH), lambda i: (i, 0)),
                  part_spec0, part_spec1,
                  _full_spec((HH, HH)), _full_spec((HH, HH)), _full_spec((1, HH)),
                  _full_spec((HH, 128)), _full_spec((1, 128))],
        out_specs=pl.BlockSpec((BB, 128), lambda i: (i, 0)),
        out_shape=jax.ShapeDtypeStruct((NN, 128), jnp.float32),
    )(h, parts, parts, Wua, Wub, bu.reshape(1, HH), W_out_pad, b_out_pad)


def kernel(x, edge_index, W_in, b_in, W_msg1, b_msg1, W_upd1, b_upd1,
           W_msg2, b_msg2, W_upd2, b_upd2, W_out, b_out):
    src = edge_index[0].astype(jnp.int32)
    dst = edge_index[1].astype(jnp.int32)
    e = src.shape[0]
    pad = EPAD - e
    trash = NN + (jnp.arange(pad, dtype=jnp.int32) % (NPAD - NN))
    src_p = jnp.concatenate([src, jnp.zeros((pad,), jnp.int32)]).reshape(NW, KK, CC)
    dst_p = jnp.concatenate([dst, trash]).reshape(NW, KK, CC)

    W_out_pad = jnp.pad(W_out, ((0, 0), (0, 128 - W_out.shape[1])))
    b_out_pad = jnp.pad(b_out, (0, 128 - b_out.shape[0])).reshape(1, 128)

    h, m1 = _tc_stage1(x, W_in, b_in, W_msg1, b_msg1)
    parts1 = _sc_aggregate(m1, src_p, dst_p)
    h1, m2 = _tc_stage2(h, parts1, W_upd1[:HH], W_upd1[HH:], b_upd1,
                        W_msg2, b_msg2)
    parts2 = _sc_aggregate(m2, src_p, dst_p)
    out2d = _tc_stage3(h1, parts2, W_upd2[:HH], W_upd2[HH:], b_upd2,
                       W_out_pad, b_out_pad)
    return out2d[:, 0]

# --- scband reference (transcript-rebuilt; emitter-appended) ---
"""Pipeline reference for scband-mpnnreg-33406255628688 (READ-ONLY COPY).

The authoritative reference and input builder live on the scoring server;
editing this copy changes nothing except your own understanding.
"""

import jax, jax.numpy as jnp
import numpy as np

N = 10000
E = 320000
D = 128
H = 128

def setup_inputs(seed: int = 0) -> dict:
    key = jax.random.key(seed)
    ks = jax.random.split(key, 16)
    x = jax.random.normal(ks[0], (N, D), dtype=jnp.float32)
    edge_index = jax.random.randint(ks[1], (2, E), 0, N, dtype=jnp.int64)
    s = 1.0 / np.sqrt(D)
    W_in = jax.random.uniform(ks[2], (D, H), jnp.float32, -s, s)
    b_in = jax.random.uniform(ks[3], (H,), jnp.float32, -s, s)
    sh = 1.0 / np.sqrt(H)
    s2h = 1.0 / np.sqrt(2 * H)
    W_msg1 = jax.random.uniform(ks[4], (H, H), jnp.float32, -sh, sh)
    b_msg1 = jax.random.uniform(ks[5], (H,), jnp.float32, -sh, sh)
    W_upd1 = jax.random.uniform(ks[6], (2 * H, H), jnp.float32, -s2h, s2h)
    b_upd1 = jax.random.uniform(ks[7], (H,), jnp.float32, -s2h, s2h)
    W_msg2 = jax.random.uniform(ks[8], (H, H), jnp.float32, -sh, sh)
    b_msg2 = jax.random.uniform(ks[9], (H,), jnp.float32, -sh, sh)
    W_upd2 = jax.random.uniform(ks[10], (2 * H, H), jnp.float32, -s2h, s2h)
    b_upd2 = jax.random.uniform(ks[11], (H,), jnp.float32, -s2h, s2h)
    W_out = jax.random.uniform(ks[12], (H, 1), jnp.float32, -sh, sh)
    b_out = jax.random.uniform(ks[13], (1,), jnp.float32, -sh, sh)
    return {"x": x, "edge_index": edge_index,
            "W_in": W_in, "b_in": b_in,
            "W_msg1": W_msg1, "b_msg1": b_msg1, "W_upd1": W_upd1, "b_upd1": b_upd1,
            "W_msg2": W_msg2, "b_msg2": b_msg2, "W_upd2": W_upd2, "b_upd2": b_upd2,
            "W_out": W_out, "b_out": b_out}

def _mpnn_layer(h, src, dst, W_msg, b_msg, W_upd, b_upd):
    # message: relu(Linear(x_j)) where x_j = h[src]
    msg = jax.nn.relu(h[src] @ W_msg + b_msg)
    # aggregate: scatter-add into dst nodes
    aggr = jax.ops.segment_sum(msg, dst, num_segments=N)
    # update: relu(Linear(cat([x, aggr])))
    return jax.nn.relu(jnp.concatenate([h, aggr], axis=-1) @ W_upd + b_upd)

def reference(x, edge_index, W_in, b_in, W_msg1, b_msg1, W_upd1, b_upd1,
              W_msg2, b_msg2, W_upd2, b_upd2, W_out, b_out):
    src = edge_index[0]
    dst = edge_index[1]
    h = jax.nn.relu(x @ W_in + b_in)
    h = _mpnn_layer(h, src, dst, W_msg1, b_msg1, W_upd1, b_upd1)
    h = _mpnn_layer(h, src, dst, W_msg2, b_msg2, W_upd2, b_upd2)
    out = h @ W_out + b_out
    return out.squeeze(-1)

if __name__ == "__main__":
    import jax
    _d = setup_inputs()
    print(jax.jit(kernel)(*tuple(_d.values())))

</pallas_src>

<mosaic_0001>
#map = affine_map<(d0, d1) -> (0, 0)>
#map1 = affine_map<(d0, d1) -> (0, 0, 0)>
module attributes {stable_mosaic.version = 14 : i64} {
  func.func @sc_fn(%arg0: i32, %arg1: i32, %arg2: memref<10000x128xf32, #tpu.memory_space<hbm>>, %arg3: memref<32x80x128xi32, #tpu.memory_space<hbm>>, %arg4: memref<32x80x128xi32, #tpu.memory_space<hbm>>, %arg5: memref<2x10112x128xf32, #tpu.memory_space<hbm>>, %arg6: memref<16x128xi32, #tpu.memory_space<vmem>>, %arg7: memref<16x128xi32, #tpu.memory_space<vmem>>, %arg8: memref<64x128xf32, #tpu.memory_space<vmem>>, %arg9: memref<64x128xf32, #tpu.memory_space<vmem>>, %arg10: memref<64x128xf32, #tpu.memory_space<vmem>>, %arg11: memref<64x128xf32, #tpu.memory_space<vmem>>, %arg12: memref<10112x128xf32, #tpu.memory_space<vmem_shared>>, %arg13: memref<!tpu.dma_semaphore, #tpu.memory_space<semaphore_mem>>, %arg14: memref<!tpu.dma_semaphore, #tpu.memory_space<semaphore_mem>>, %arg15: memref<!tpu.dma_semaphore, #tpu.memory_space<semaphore_mem>>, %arg16: memref<!tpu.dma_semaphore, #tpu.memory_space<semaphore_mem>>) attributes {dimension_semantics = [#tpu.dimension_semantics<core_parallel>, #tpu.dimension_semantics<subcore_parallel>], iteration_bounds = array<i64: 2, 16>, scalar_prefetch = 0 : i64, scratch_operands = 11 : i64, tpu.core_type = #tpu.core_type<sc_vector_subcore>, window_params = [{transform_indices = #map}, {transform_indices = #map1}, {transform_indices = #map1}, {transform_indices = #map1}]} {
    %mul3A = arith.constant 2 : i32
    %mul3A_0 = arith.muli %arg1, %mul3A : i32
    %add3A = arith.addi %mul3A_0, %arg0 : i32
    %scan3A = arith.constant 0 : i32
    %scan3A_1 = arith.constant 0 : i32
    %scan3A_2 = arith.constant 64 : i32
    %scan3A_3 = arith.addi %scan3A_1, %scan3A_2 : i32
    %scan3A_4 = arith.constant 1 : i32
    scf.for %scan3A_35 = %scan3A_1 to %scan3A_3 step %scan3A_4  : i32 {
      %broadcast_in_dim3A = arith.constant 0.000000e+00 : f32
      %broadcast_in_dim3A_36 = vector.broadcast %broadcast_in_dim3A : f32 to vector<16xf32>
      %swap3A = arith.index_cast %scan3A_35 : i32 to index
      %swap3A_37 = arith.constant 0 : index
      %swap3A_38 = tpu.vector_load %arg8[%swap3A, %swap3A_37] {strides = array<i32>} : memref<64x128xf32, #tpu.memory_space<vmem>>, vector<1x16xf32>,
      %swap3A_39 = vector.shape_cast %swap3A_38 : vector<1x16xf32> to vector<16xf32>
      %swap3A_40 = vector.shape_cast %broadcast_in_dim3A_36 : vector<16xf32> to vector<1x16xf32>
      tpu.vector_store %arg8[%swap3A, %swap3A_37], %swap3A_40 {strides = array<i32>} : memref<64x128xf32, #tpu.memory_space<vmem>>, vector<1x16xf32>,
      %broadcast_in_dim3A_41 = arith.constant 0.000000e+00 : f32
      %broadcast_in_dim3A_42 = vector.broadcast %broadcast_in_dim3A_41 : f32 to vector<16xf32>
      %swap3A_43 = arith.index_cast %scan3A_35 : i32 to index
      %swap3A_44 = arith.constant 16 : index
      %swap3A_45 = tpu.vector_load %arg8[%swap3A_43, %swap3A_44] {strides = array<i32>} : memref<64x128xf32, #tpu.memory_space<vmem>>, vector<1x16xf32>,
      %swap3A_46 = vector.shape_cast %swap3A_45 : vector<1x16xf32> to vector<16xf32>
      %swap3A_47 = vector.shape_cast %broadcast_in_dim3A_42 : vector<16xf32> to vector<1x16xf32>
      tpu.vector_store %arg8[%swap3A_43, %swap3A_44], %swap3A_47 {strides = array<i32>} : memref<64x128xf32, #tpu.memory_space<vmem>>, vector<1x16xf32>,
      %broadcast_in_dim3A_48 = arith.constant 0.000000e+00 : f32
      %broadcast_in_dim3A_49 = vector.broadcast %broadcast_in_dim3A_48 : f32 to vector<16xf32>
      %swap3A_50 = arith.index_cast %scan3A_35 : i32 to index
      %swap3A_51 = arith.constant 32 : index
      %swap3A_52 = tpu.vector_load %arg8[%swap3A_50, %swap3A_51] {strides = array<i32>} : memref<64x128xf32, #tpu.memory_space<vmem>>, vector<1x16xf32>,
      %swap3A_53 = vector.shape_cast %swap3A_52 : vector<1x16xf32> to vector<16xf32>
      %swap3A_54 = vector.shape_cast %broadcast_in_dim3A_49 : vector<16xf32> to vector<1x16xf32>
      tpu.vector_store %arg8[%swap3A_50, %swap3A_51], %swap3A_54 {strides = array<i32>} : memref<64x128xf32, #tpu.memory_space<vmem>>, vector<1x16xf32>,
      %broadcast_in_dim3A_55 = arith.constant 0.000000e+00 : f32
      %broadcast_in_dim3A_56 = vector.broadcast %broadcast_in_dim3A_55 : f32 to vector<16xf32>
      %swap3A_57 = arith.index_cast %scan3A_35 : i32 to index
      %swap3A_58 = arith.constant 48 : index
      %swap3A_59 = tpu.vector_load %arg8[%swap3A_57, %swap3A_58] {strides = array<i32>} : memref<64x128xf32, #tpu.memory_space<vmem>>, vector<1x16xf32>,
      %swap3A_60 = vector.shape_cast %swap3A_59 : vector<1x16xf32> to vector<16xf32>
      %swap3A_61 = vector.shape_cast %broadcast_in_dim3A_56 : vector<16xf32> to vector<1x16xf32>
      tpu.vector_store %arg8[%swap3A_57, %swap3A_58], %swap3A_61 {strides = array<i32>} : memref<64x128xf32, #tpu.memory_space<vmem>>, vector<1x16xf32>,
      %broadcast_in_dim3A_62 = arith.constant 0.000000e+00 : f32
      %broadcast_in_dim3A_63 = vector.broadcast %broadcast_in_dim3A_62 : f32 to vector<16xf32>
      %swap3A_64 = arith.index_cast %scan3A_35 : i32 to index
      %swap3A_65 = arith.constant 64 : index
      %swap3A_66 = tpu.vector_load %arg8[%swap3A_64, %swap3A_65] {strides = array<i32>} : memref<64x128xf32, #tpu.memory_space<vmem>>, vector<1x16xf32>,
      %swap3A_67 = vector.shape_cast %swap3A_66 : vector<1x16xf32> to vector<16xf32>
      %swap3A_68 = vector.shape_cast %broadcast_in_dim3A_63 : vector<16xf32> to vector<1x16xf32>
      tpu.vector_store %arg8[%swap3A_64, %swap3A_65], %swap3A_68 {strides = array<i32>} : memref<64x128xf32, #tpu.memory_space<vmem>>, vector<1x16xf32>,
      %broadcast_in_dim3A_69 = arith.constant 0.000000e+00 : f32
      %broadcast_in_dim3A_70 = vector.broadcast %broadcast_in_dim3A_69 : f32 to vector<16xf32>
      %swap3A_71 = arith.index_cast %scan3A_35 : i32 to index
      %swap3A_72 = arith.constant 80 : index
      %swap3A_73 = tpu.vector_load %arg8[%swap3A_71, %swap3A_72] {strides = array<i32>} : memref<64x128xf32, #tpu.memory_space<vmem>>, vector<1x16xf32>,
      %swap3A_74 = vector.shape_cast %swap3A_73 : vector<1x16xf32> to vector<16xf32>
      %swap3A_75 = vector.shape_cast %broadcast_in_dim3A_70 : vector<16xf32> to vector<1x16xf32>
      tpu.vector_store %arg8[%swap3A_71, %swap3A_72], %swap3A_75 {strides = array<i32>} : memref<64x128xf32, #tpu.memory_space<vmem>>, vector<1x16xf32>,
      %broadcast_in_dim3A_76 = arith.constant 0.000000e+00 : f32
      %broadcast_in_dim3A_77 = vector.broadcast %broadcast_in_dim3A_76 : f32 to vector<16xf32>
      %swap3A_78 = arith.index_cast %scan3A_35 : i32 to index
      %swap3A_79 = arith.constant 96 : index
      %swap3A_80 = tpu.vector_load %arg8[%swap3A_78, %swap3A_79] {strides = array<i32>} : memref<64x128xf32, #tpu.memory_space<vmem>>, vector<1x16xf32>,
      %swap3A_81 = vector.shape_cast %swap3A_80 : vector<1x16xf32> to vector<16xf32>
      %swap3A_82 = vector.shape_cast %broadcast_in_dim3A_77 : vector<16xf32> to vector<1x16xf32>
      tpu.vector_store %arg8[%swap3A_78, %swap3A_79], %swap3A_82 {strides = array<i32>} : memref<64x128xf32, #tpu.memory_space<vmem>>, vector<1x16xf32>,
      %broadcast_in_dim3A_83 = arith.constant 0.000000e+00 : f32
      %broadcast_in_dim3A_84 = vector.broadcast %broadcast_in_dim3A_83 : f32 to vector<16xf32>
      %swap3A_85 = arith.index_cast %scan3A_35 : i32 to index
      %swap3A_86 = arith.constant 112 : index
      %swap3A_87 = tpu.vector_load %arg8[%swap3A_85, %swap3A_86] {strides = array<i32>} : memref<64x128xf32, #tpu.memory_space<vmem>>, vector<1x16xf32>,
      %swap3A_88 = vector.shape_cast %swap3A_87 : vector<1x16xf32> to vector<16xf32>
      %swap3A_89 = vector.shape_cast %broadcast_in_dim3A_84 : vector<16xf32> to vector<1x16xf32>
      tpu.vector_store %arg8[%swap3A_85, %swap3A_86], %swap3A_89 {strides = array<i32>} : memref<64x128xf32, #tpu.memory_space<vmem>>, vector<1x16xf32>,
    }
    %scan3A_5 = arith.constant 64 : i32
    %mul3A_6 = arith.constant 632 : i32
    %mul3A_7 = arith.muli %arg1, %mul3A_6 : i32
    %add3A_8 = arith.constant 0 : i32
    %add3A_9 = arith.addi %mul3A_7, %add3A_8 : i32
    "tpu.region"() ({
      %run_scoped3A = tpu.sem_alloc : memref<!tpu.dma_semaphore, #tpu.memory_space<semaphore_mem>>
      %dma_start3A = arith.constant 0 : i32
      %dma_start3A_35 = tpu.memref_slice %arg12[%add3A_9, %dma_start3A] : memref<10112x128xf32, #tpu.memory_space<vmem_shared>> -> memref<64x128xf32, #tpu.memory_space<vmem_shared>>
      %dma_start3A_36 = arith.constant 0 : i32
      %dma_start3A_37 = tpu.memref_slice %arg12[%add3A_9, %dma_start3A_36] : memref<10112x128xf32, #tpu.memory_space<vmem_shared>> -> memref<64x128xf32, #tpu.memory_space<vmem_shared>>
      tpu.enqueue_dma source(%arg8 : memref<64x128xf32, #tpu.memory_space<vmem>>) target(%dma_start3A_37 : memref<64x128xf32, #tpu.memory_space<vmem_shared>>) target_semaphore(%run_scoped3A : memref<!tpu.dma_semaphore, #tpu.memory_space<semaphore_mem>>)
      %dma_wait3A = arith.constant 0 : i32
      %dma_wait3A_38 = tpu.memref_slice %arg12[%add3A_9, %dma_wait3A] : memref<10112x128xf32, #tpu.memory_space<vmem_shared>> -> memref<64x128xf32, #tpu.memory_space<vmem_shared>>
      %dma_wait3A_39 = arith.constant 0 : i32
      %dma_wait3A_40 = tpu.memref_slice %arg12[%add3A_9, %dma_wait3A_39] : memref<10112x128xf32, #tpu.memory_space<vmem_shared>> -> memref<64x128xf32, #tpu.memory_space<vmem_shared>>
      tpu.wait_dma2 semaphore(%run_scoped3A : memref<!tpu.dma_semaphore, #tpu.memory_space<semaphore_mem>>) src(%arg8 : memref<64x128xf32, #tpu.memory_space<vmem>>) dst(%dma_wait3A_40 : memref<64x128xf32, #tpu.memory_space<vmem_shared>>)
      tpu.yield
    }) : () -> ()
    %add3A_10 = arith.constant 64 : i32
    %add3A_11 = arith.addi %mul3A_7, %add3A_10 : i32
    "tpu.region"() ({
      %run_scoped3A = tpu.sem_alloc : memref<!tpu.dma_semaphore, #tpu.memory_space<semaphore_mem>>
      %dma_start3A = arith.constant 0 : i32
      %dma_start3A_35 = tpu.memref_slice %arg12[%add3A_11, %dma_start3A] : memref<10112x128xf32, #tpu.memory_space<vmem_shared>> -> memref<64x128xf32, #tpu.memory_space<vmem_shared>>
      %dma_start3A_36 = arith.constant 0 : i32
      %dma_start3A_37 = tpu.memref_slice %arg12[%add3A_11, %dma_start3A_36] : memref<10112x128xf32, #tpu.memory_space<vmem_shared>> -> memref<64x128xf32, #tpu.memory_space<vmem_shared>>
      tpu.enqueue_dma source(%arg8 : memref<64x128xf32, #tpu.memory_space<vmem>>) target(%dma_start3A_37 : memref<64x128xf32, #tpu.memory_space<vmem_shared>>) target_semaphore(%run_scoped3A : memref<!tpu.dma_semaphore, #tpu.memory_space<semaphore_mem>>)
      %dma_wait3A = arith.constant 0 : i32
      %dma_wait3A_38 = tpu.memref_slice %arg12[%add3A_11, %dma_wait3A] : memref<10112x128xf32, #tpu.memory_space<vmem_shared>> -> memref<64x128xf32, #tpu.memory_space<vmem_shared>>
      %dma_wait3A_39 = arith.constant 0 : i32
      %dma_wait3A_40 = tpu.memref_slice %arg12[%add3A_11, %dma_wait3A_39] : memref<10112x128xf32, #tpu.memory_space<vmem_shared>> -> memref<64x128xf32, #tpu.memory_space<vmem_shared>>
      tpu.wait_dma2 semaphore(%run_scoped3A : memref<!tpu.dma_semaphore, #tpu.memory_space<semaphore_mem>>) src(%arg8 : memref<64x128xf32, #tpu.memory_space<vmem>>) dst(%dma_wait3A_40 : memref<64x128xf32, #tpu.memory_space<vmem_shared>>)
      tpu.yield
    }) : () -> ()
    %add3A_12 = arith.constant 128 : i32
    %add3A_13 = arith.addi %mul3A_7, %add3A_12 : i32
    "tpu.region"() ({
      %run_scoped3A = tpu.sem_alloc : memref<!tpu.dma_semaphore, #tpu.memory_space<semaphore_mem>>
      %dma_start3A = arith.constant 0 : i32
      %dma_start3A_35 = tpu.memref_slice %arg12[%add3A_13, %dma_start3A] : memref<10112x128xf32, #tpu.memory_space<vmem_shared>> -> memref<64x128xf32, #tpu.memory_space<vmem_shared>>
      %dma_start3A_36 = arith.constant 0 : i32
      %dma_start3A_37 = tpu.memref_slice %arg12[%add3A_13, %dma_start3A_36] : memref<10112x128xf32, #tpu.memory_space<vmem_shared>> -> memref<64x128xf32, #tpu.memory_space<vmem_shared>>
      tpu.enqueue_dma source(%arg8 : memref<64x128xf32, #tpu.memory_space<vmem>>) target(%dma_start3A_37 : memref<64x128xf32, #tpu.memory_space<vmem_shared>>) target_semaphore(%run_scoped3A : memref<!tpu.dma_semaphore, #tpu.memory_space<semaphore_mem>>)
      %dma_wait3A = arith.constant 0 : i32
      %dma_wait3A_38 = tpu.memref_slice %arg12[%add3A_13, %dma_wait3A] : memref<10112x128xf32, #tpu.memory_space<vmem_shared>> -> memref<64x128xf32, #tpu.memory_space<vmem_shared>>
      %dma_wait3A_39 = arith.constant 0 : i32
      %dma_wait3A_40 = tpu.memref_slice %arg12[%add3A_13, %dma_wait3A_39] : memref<10112x128xf32, #tpu.memory_space<vmem_shared>> -> memref<64x128xf32, #tpu.memory_space<vmem_shared>>
      tpu.wait_dma2 semaphore(%run_scoped3A : memref<!tpu.dma_semaphore, #tpu.memory_space<semaphore_mem>>) src(%arg8 : memref<64x128xf32, #tpu.memory_space<vmem>>) dst(%dma_wait3A_40 : memref<64x128xf32, #tpu.memory_space<vmem_shared>>)
      tpu.yield
    }) : () -> ()
    %add3A_14 = arith.constant 192 : i32
    %add3A_15 = arith.addi %mul3A_7, %add3A_14 : i32
    "tpu.region"() ({
      %run_scoped3A = tpu.sem_alloc : memref<!tpu.dma_semaphore, #tpu.memory_space<semaphore_mem>>
      %dma_start3A = arith.constant 0 : i32
      %dma_start3A_35 = tpu.memref_slice %arg12[%add3A_15, %dma_start3A] : memref<10112x128xf32, #tpu.memory_space<vmem_shared>> -> memref<64x128xf32, #tpu.memory_space<vmem_shared>>
      %dma_start3A_36 = arith.constant 0 : i32
      %dma_start3A_37 = tpu.memref_slice %arg12[%add3A_15, %dma_start3A_36] : memref<10112x128xf32, #tpu.memory_space<vmem_shared>> -> memref<64x128xf32, #tpu.memory_space<vmem_shared>>
      tpu.enqueue_dma source(%arg8 : memref<64x128xf32, #tpu.memory_space<vmem>>) target(%dma_start3A_37 : memref<64x128xf32, #tpu.memory_space<vmem_shared>>) target_semaphore(%run_scoped3A : memref<!tpu.dma_semaphore, #tpu.memory_space<semaphore_mem>>)
      %dma_wait3A = arith.constant 0 : i32
      %dma_wait3A_38 = tpu.memref_slice %arg12[%add3A_15, %dma_wait3A] : memref<10112x128xf32, #tpu.memory_space<vmem_shared>> -> memref<64x128xf32, #tpu.memory_space<vmem_shared>>
      %dma_wait3A_39 = arith.constant 0 : i32
      %dma_wait3A_40 = tpu.memref_slice %arg12[%add3A_15, %dma_wait3A_39] : memref<10112x128xf32, #tpu.memory_space<vmem_shared>> -> memref<64x128xf32, #tpu.memory_space<vmem_shared>>
      tpu.wait_dma2 semaphore(%run_scoped3A : memref<!tpu.dma_semaphore, #tpu.memory_space<semaphore_mem>>) src(%arg8 : memref<64x128xf32, #tpu.memory_space<vmem>>) dst(%dma_wait3A_40 : memref<64x128xf32, #tpu.memory_space<vmem_shared>>)
      tpu.yield
    }) : () -> ()
    %add3A_16 = arith.constant 256 : i32
    %add3A_17 = arith.addi %mul3A_7, %add3A_16 : i32
    "tpu.region"() ({
      %run_scoped3A = tpu.sem_alloc : memref<!tpu.dma_semaphore, #tpu.memory_space<semaphore_mem>>
      %dma_start3A = arith.constant 0 : i32
      %dma_start3A_35 = tpu.memref_slice %arg12[%add3A_17, %dma_start3A] : memref<10112x128xf32, #tpu.memory_space<vmem_shared>> -> memref<64x128xf32, #tpu.memory_space<vmem_shared>>
      %dma_start3A_36 = arith.constant 0 : i32
      %dma_start3A_37 = tpu.memref_slice %arg12[%add3A_17, %dma_start3A_36] : memref<10112x128xf32, #tpu.memory_space<vmem_shared>> -> memref<64x128xf32, #tpu.memory_space<vmem_shared>>
      tpu.enqueue_dma source(%arg8 : memref<64x128xf32, #tpu.memory_space<vmem>>) target(%dma_start3A_37 : memref<64x128xf32, #tpu.memory_space<vmem_shared>>) target_semaphore(%run_scoped3A : memref<!tpu.dma_semaphore, #tpu.memory_space<semaphore_mem>>)
      %dma_wait3A = arith.constant 0 : i32
      %dma_wait3A_38 = tpu.memref_slice %arg12[%add3A_17, %dma_wait3A] : memref<10112x128xf32, #tpu.memory_space<vmem_shared>> -> memref<64x128xf32, #tpu.memory_space<vmem_shared>>
      %dma_wait3A_39 = arith.constant 0 : i32
      %dma_wait3A_40 = tpu.memref_slice %arg12[%add3A_17, %dma_wait3A_39] : memref<10112x128xf32, #tpu.memory_space<vmem_shared>> -> memref<64x128xf32, #tpu.memory_space<vmem_shared>>
      tpu.wait_dma2 semaphore(%run_scoped3A : memref<!tpu.dma_semaphore, #tpu.memory_space<semaphore_mem>>) src(%arg8 : memref<64x128xf32, #tpu.memory_space<vmem>>) dst(%dma_wait3A_40 : memref<64x128xf32, #tpu.memory_space<vmem_shared>>)
      tpu.yield
    }) : () -> ()
    %add3A_18 = arith.constant 320 : i32
    %add3A_19 = arith.addi %mul3A_7, %add3A_18 : i32
    "tpu.region"() ({
      %run_scoped3A = tpu.sem_alloc : memref<!tpu.dma_semaphore, #tpu.memory_space<semaphore_mem>>
      %dma_start3A = arith.constant 0 : i32
      %dma_start3A_35 = tpu.memref_slice %arg12[%add3A_19, %dma_start3A] : memref<10112x128xf32, #tpu.memory_space<vmem_shared>> -> memref<64x128xf32, #tpu.memory_space<vmem_shared>>
      %dma_start3A_36 = arith.constant 0 : i32
      %dma_start3A_37 = tpu.memref_slice %arg12[%add3A_19, %dma_start3A_36] : memref<10112x128xf32, #tpu.memory_space<vmem_shared>> -> memref<64x128xf32, #tpu.memory_space<vmem_shared>>
      tpu.enqueue_dma source(%arg8 : memref<64x128xf32, #tpu.memory_space<vmem>>) target(%dma_start3A_37 : memref<64x128xf32, #tpu.memory_space<vmem_shared>>) target_semaphore(%run_scoped3A : memref<!tpu.dma_semaphore, #tpu.memory_space<semaphore_mem>>)
      %dma_wait3A = arith.constant 0 : i32
      %dma_wait3A_38 = tpu.memref_slice %arg12[%add3A_19, %dma_wait3A] : memref<10112x128xf32, #tpu.memory_space<vmem_shared>> -> memref<64x128xf32, #tpu.memory_space<vmem_shared>>
      %dma_wait3A_39 = arith.constant 0 : i32
      %dma_wait3A_40 = tpu.memref_slice %arg12[%add3A_19, %dma_wait3A_39] : memref<10112x128xf32, #tpu.memory_space<vmem_shared>> -> memref<64x128xf32, #tpu.memory_space<vmem_shared>>
      tpu.wait_dma2 semaphore(%run_scoped3A : memref<!tpu.dma_semaphore, #tpu.memory_space<semaphore_mem>>) src(%arg8 : memref<64x128xf32, #tpu.memory_space<vmem>>) dst(%dma_wait3A_40 : memref<64x128xf32, #tpu.memory_space<vmem_shared>>)
      tpu.yield
    }) : () -> ()
    %add3A_20 = arith.constant 384 : i32
    %add3A_21 = arith.addi %mul3A_7, %add3A_20 : i32
    "tpu.region"() ({
      %run_scoped3A = tpu.sem_alloc : memref<!tpu.dma_semaphore, #tpu.memory_space<semaphore_mem>>
      %dma_start3A = arith.constant 0 : i32
      %dma_start3A_35 = tpu.memref_slice %arg12[%add3A_21, %dma_start3A] : memref<10112x128xf32, #tpu.memory_space<vmem_shared>> -> memref<64x128xf32, #tpu.memory_space<vmem_shared>>
      %dma_start3A_36 = arith.constant 0 : i32
      %dma_start3A_37 = tpu.memref_slice %arg12[%add3A_21, %dma_start3A_36] : memref<10112x128xf32, #tpu.memory_space<vmem_shared>> -> memref<64x128xf32, #tpu.memory_space<vmem_shared>>
      tpu.enqueue_dma source(%arg8 : memref<64x128xf32, #tpu.memory_space<vmem>>) target(%dma_start3A_37 : memref<64x128xf32, #tpu.memory_space<vmem_shared>>) target_semaphore(%run_scoped3A : memref<!tpu.dma_semaphore, #tpu.memory_space<semaphore_mem>>)
      %dma_wait3A = arith.constant 0 : i32
      %dma_wait3A_38 = tpu.memref_slice %arg12[%add3A_21, %dma_wait3A] : memref<10112x128xf32, #tpu.memory_space<vmem_shared>> -> memref<64x128xf32, #tpu.memory_space<vmem_shared>>
      %dma_wait3A_39 = arith.constant 0 : i32
      %dma_wait3A_40 = tpu.memref_slice %arg12[%add3A_21, %dma_wait3A_39] : memref<10112x128xf32, #tpu.memory_space<vmem_shared>> -> memref<64x128xf32, #tpu.memory_space<vmem_shared>>
      tpu.wait_dma2 semaphore(%run_scoped3A : memref<!tpu.dma_semaphore, #tpu.memory_space<semaphore_mem>>) src(%arg8 : memref<64x128xf32, #tpu.memory_space<vmem>>) dst(%dma_wait3A_40 : memref<64x128xf32, #tpu.memory_space<vmem_shared>>)
      tpu.yield
    }) : () -> ()
    %add3A_22 = arith.constant 448 : i32
    %add3A_23 = arith.addi %mul3A_7, %add3A_22 : i32
    "tpu.region"() ({
      %run_scoped3A = tpu.sem_alloc : memref<!tpu.dma_semaphore, #tpu.memory_space<semaphore_mem>>
      %dma_start3A = arith.constant 0 : i32
      %dma_start3A_35 = tpu.memref_slice %arg12[%add3A_23, %dma_start3A] : memref<10112x128xf32, #tpu.memory_space<vmem_shared>> -> memref<64x128xf32, #tpu.memory_space<vmem_shared>>
      %dma_start3A_36 = arith.constant 0 : i32
      %dma_start3A_37 = tpu.memref_slice %arg12[%add3A_23, %dma_start3A_36] : memref<10112x128xf32, #tpu.memory_space<vmem_shared>> -> memref<64x128xf32, #tpu.memory_space<vmem_shared>>
      tpu.enqueue_dma source(%arg8 : memref<64x128xf32, #tpu.memory_space<vmem>>) target(%dma_start3A_37 : memref<64x128xf32, #tpu.memory_space<vmem_shared>>) target_semaphore(%run_scoped3A : memref<!tpu.dma_semaphore, #tpu.memory_space<semaphore_mem>>)
      %dma_wait3A = arith.constant 0 : i32
      %dma_wait3A_38 = tpu.memref_slice %arg12[%add3A_23, %dma_wait3A] : memref<10112x128xf32, #tpu.memory_space<vmem_shared>> -> memref<64x128xf32, #tpu.memory_space<vmem_shared>>
      %dma_wait3A_39 = arith.constant 0 : i32
      %dma_wait3A_40 = tpu.memref_slice %arg12[%add3A_23, %dma_wait3A_39] : memref<10112x128xf32, #tpu.memory_space<vmem_shared>> -> memref<64x128xf32, #tpu.memory_space<vmem_shared>>
      tpu.wait_dma2 semaphore(%run_scoped3A : memref<!tpu.dma_semaphore, #tpu.memory_space<semaphore_mem>>) src(%arg8 : memref<64x128xf32, #tpu.memory_space<vmem>>) dst(%dma_wait3A_40 : memref<64x128xf32, #tpu.memory_space<vmem_shared>>)
      tpu.yield
    }) : () -> ()
    %add3A_24 = arith.constant 512 : i32
    %add3A_25 = arith.addi %mul3A_7, %add3A_24 : i32
    "tpu.region"() ({
      %run_scoped3A = tpu.sem_alloc : memref<!tpu.dma_semaphore, #tpu.memory_space<semaphore_mem>>
      %dma_start3A = arith.constant 0 : i32
      %dma_start3A_35 = tpu.memref_slice %arg12[%add3A_25, %dma_start3A] : memref<10112x128xf32, #tpu.memory_space<vmem_shared>> -> memref<64x128xf32, #tpu.memory_space<vmem_shared>>
      %dma_start3A_36 = arith.constant 0 : i32
      %dma_start3A_37 = tpu.memref_slice %arg12[%add3A_25, %dma_start3A_36] : memref<10112x128xf32, #tpu.memory_space<vmem_shared>> -> memref<64x128xf32, #tpu.memory_space<vmem_shared>>
      tpu.enqueue_dma source(%arg8 : memref<64x128xf32, #tpu.memory_space<vmem>>) target(%dma_start3A_37 : memref<64x128xf32, #tpu.memory_space<vmem_shared>>) target_semaphore(%run_scoped3A : memref<!tpu.dma_semaphore, #tpu.memory_space<semaphore_mem>>)
      %dma_wait3A = arith.constant 0 : i32
      %dma_wait3A_38 = tpu.memref_slice %arg12[%add3A_25, %dma_wait3A] : memref<10112x128xf32, #tpu.memory_space<vmem_shared>> -> memref<64x128xf32, #tpu.memory_space<vmem_shared>>
      %dma_wait3A_39 = arith.constant 0 : i32
      %dma_wait3A_40 = tpu.memref_slice %arg12[%add3A_25, %dma_wait3A_39] : memref<10112x128xf32, #tpu.memory_space<vmem_shared>> -> memref<64x128xf32, #tpu.memory_space<vmem_shared>>
      tpu.wait_dma2 semaphore(%run_scoped3A : memref<!tpu.dma_semaphore, #tpu.memory_space<semaphore_mem>>) src(%arg8 : memref<64x128xf32, #tpu.memory_space<vmem>>) dst(%dma_wait3A_40 : memref<64x128xf32, #tpu.memory_space<vmem_shared>>)
      tpu.yield
    }) : () -> ()
    %add3A_26 = arith.constant 576 : i32
    %add3A_27 = arith.addi %mul3A_7, %add3A_26 : i32
    "tpu.region"() ({
      %run_scoped3A = tpu.sem_alloc : memref<!tpu.dma_semaphore, #tpu.memory_space<semaphore_mem>>
      %dma_start3A = arith.constant 0 : i32
      %dma_start3A_35 = arith.constant 0 : i32
      %dma_start3A_36 = tpu.memref_slice %arg8[%dma_start3A, %dma_start3A_35] : memref<64x128xf32, #tpu.memory_space<vmem>> -> memref<56x128xf32, #tpu.memory_space<vmem>>
      %dma_start3A_37 = arith.constant 0 : i32
      %dma_start3A_38 = tpu.memref_slice %arg12[%add3A_27, %dma_start3A_37] : memref<10112x128xf32, #tpu.memory_space<vmem_shared>> -> memref<56x128xf32, #tpu.memory_space<vmem_shared>>
      %dma_start3A_39 = arith.constant 0 : i32
      %dma_start3A_40 = tpu.memref_slice %arg12[%add3A_27, %dma_start3A_39] : memref<10112x128xf32, #tpu.memory_space<vmem_shared>> -> memref<56x128xf32, #tpu.memory_space<vmem_shared>>
      %dma_start3A_41 = arith.constant 0 : i32
      %dma_start3A_42 = arith.constant 0 : i32
      %dma_start3A_43 = tpu.memref_slice %arg8[%dma_start3A_41, %dma_start3A_42] : memref<64x128xf32, #tpu.memory_space<vmem>> -> memref<56x128xf32, #tpu.memory_space<vmem>>
      tpu.enqueue_dma source(%dma_start3A_43 : memref<56x128xf32, #tpu.memory_space<vmem>>) target(%dma_start3A_40 : memref<56x128xf32, #tpu.memory_space<vmem_shared>>) target_semaphore(%run_scoped3A : memref<!tpu.dma_semaphore, #tpu.memory_space<semaphore_mem>>)
      %dma_wait3A = arith.constant 0 : i32
      %dma_wait3A_44 = arith.constant 0 : i32
      %dma_wait3A_45 = tpu.memref_slice %arg8[%dma_wait3A, %dma_wait3A_44] : memref<64x128xf32, #tpu.memory_space<vmem>> -> memref<56x128xf32, #tpu.memory_space<vmem>>
      %dma_wait3A_46 = arith.constant 0 : i32
      %dma_wait3A_47 = tpu.memref_slice %arg12[%add3A_27, %dma_wait3A_46] : memref<10112x128xf32, #tpu.memory_space<vmem_shared>> -> memref<56x128xf32, #tpu.memory_space<vmem_shared>>
      %dma_wait3A_48 = arith.constant 0 : i32
      %dma_wait3A_49 = tpu.memref_slice %arg12[%add3A_27, %dma_wait3A_48] : memref<10112x128xf32, #tpu.memory_space<vmem_shared>> -> memref<56x128xf32, #tpu.memory_space<vmem_shared>>
      %dma_wait3A_50 = arith.constant 0 : i32
      %dma_wait3A_51 = arith.constant 0 : i32
      %dma_wait3A_52 = tpu.memref_slice %arg8[%dma_wait3A_50, %dma_wait3A_51] : memref<64x128xf32, #tpu.memory_space<vmem>> -> memref<56x128xf32, #tpu.memory_space<vmem>>
      tpu.wait_dma2 semaphore(%run_scoped3A : memref<!tpu.dma_semaphore, #tpu.memory_space<semaphore_mem>>) src(%dma_wait3A_52 : memref<56x128xf32, #tpu.memory_space<vmem>>) dst(%dma_wait3A_49 : memref<56x128xf32, #tpu.memory_space<vmem_shared>>)
      tpu.yield
    }) : () -> ()
    %barrier3A = arith.constant 0 : index
    tpu.barrier barrier_id(%barrier3A)
    %scan3A_28 = arith.constant 0 : i32
    %scan3A_29 = arith.constant 0 : i32
    %scan3A_30 = arith.constant 5 : i32
    %scan3A_31 = arith.addi %scan3A_29, %scan3A_30 : i32
    %scan3A_32 = arith.constant 1 : i32
    scf.for %scan3A_35 = %scan3A_29 to %scan3A_31 step %scan3A_32  : i32 {
      %mul3A_36 = arith.constant 16 : i32
      %mul3A_37 = arith.muli %scan3A_35, %mul3A_36 : i32
      "tpu.region"() ({
        %run_scoped3A = tpu.sem_alloc : memref<!tpu.dma_semaphore, #tpu.memory_space<semaphore_mem>>
        %dma_start3A_73 = arith.constant 0 : i32
        %dma_start3A_74 = tpu.memref_slice %arg3[%add3A, %mul3A_37, %dma_start3A_73] : memref<32x80x128xi32, #tpu.memory_space<hbm>> -> memref<1x16x128xi32, #tpu.memory_space<hbm>>
        %dma_start3A_75 = tpu.memref_squeeze %dma_start3A_74 : memref<1x16x128xi32, #tpu.memory_space<hbm>> -> memref<16x128xi32, #tpu.memory_space<hbm>>
        %dma_start3A_76 = arith.constant 0 : i32
        %dma_start3A_77 = tpu.memref_slice %arg3[%add3A, %mul3A_37, %dma_start3A_76] : memref<32x80x128xi32, #tpu.memory_space<hbm>> -> memref<1x16x128xi32, #tpu.memory_space<hbm>>
        %dma_start3A_78 = tpu.memref_squeeze %dma_start3A_77 : memref<1x16x128xi32, #tpu.memory_space<hbm>> -> memref<16x128xi32, #tpu.memory_space<hbm>>
        tpu.enqueue_dma source(%dma_start3A_78 : memref<16x128xi32, #tpu.memory_space<hbm>>) target(%arg6 : memref<16x128xi32, #tpu.memory_space<vmem>>) target_semaphore(%run_scoped3A : memref<!tpu.dma_semaphore, #tpu.memory_space<semaphore_mem>>)
        %dma_wait3A = arith.constant 0 : i32
        %dma_wait3A_79 = tpu.memref_slice %arg3[%add3A, %mul3A_37, %dma_wait3A] : memref<32x80x128xi32, #tpu.memory_space<hbm>> -> memref<1x16x128xi32, #tpu.memory_space<hbm>>
        %dma_wait3A_80 = tpu.memref_squeeze %dma_wait3A_79 : memref<1x16x128xi32, #tpu.memory_space<hbm>> -> memref<16x128xi32, #tpu.memory_space<hbm>>
        %dma_wait3A_81 = arith.constant 0 : i32
        %dma_wait3A_82 = tpu.memref_slice %arg3[%add3A, %mul3A_37, %dma_wait3A_81] : memref<32x80x128xi32, #tpu.memory_space<hbm>> -> memref<1x16x128xi32, #tpu.memory_space<hbm>>
        %dma_wait3A_83 = tpu.memref_squeeze %dma_wait3A_82 : memref<1x16x128xi32, #tpu.memory_space<hbm>> -> memref<16x128xi32, #tpu.memory_space<hbm>>
        tpu.wait_dma2 semaphore(%run_scoped3A : memref<!tpu.dma_semaphore, #tpu.memory_space<semaphore_mem>>) src(%dma_wait3A_83 : memref<16x128xi32, #tpu.memory_space<hbm>>) dst(%arg6 : memref<16x128xi32, #tpu.memory_space<vmem>>)
        tpu.yield
      }) : () -> ()
      %mul3A_38 = arith.constant 16 : i32
      %mul3A_39 = arith.muli %scan3A_35, %mul3A_38 : i32
      "tpu.region"() ({
        %run_scoped3A = tpu.sem_alloc : memref<!tpu.dma_semaphore, #tpu.memory_space<semaphore_mem>>
        %dma_start3A_73 = arith.constant 0 : i32
        %dma_start3A_74 = tpu.memref_slice %arg4[%add3A, %mul3A_39, %dma_start3A_73] : memref<32x80x128xi32, #tpu.memory_space<hbm>> -> memref<1x16x128xi32, #tpu.memory_space<hbm>>
        %dma_start3A_75 = tpu.memref_squeeze %dma_start3A_74 : memref<1x16x128xi32, #tpu.memory_space<hbm>> -> memref<16x128xi32, #tpu.memory_space<hbm>>
        %dma_start3A_76 = arith.constant 0 : i32
        %dma_start3A_77 = tpu.memref_slice %arg4[%add3A, %mul3A_39, %dma_start3A_76] : memref<32x80x128xi32, #tpu.memory_space<hbm>> -> memref<1x16x128xi32, #tpu.memory_space<hbm>>
        %dma_start3A_78 = tpu.memref_squeeze %dma_start3A_77 : memref<1x16x128xi32, #tpu.memory_space<hbm>> -> memref<16x128xi32, #tpu.memory_space<hbm>>
        tpu.enqueue_dma source(%dma_start3A_78 : memref<16x128xi32, #tpu.memory_space<hbm>>) target(%arg7 : memref<16x128xi32, #tpu.memory_space<vmem>>) target_semaphore(%run_scoped3A : memref<!tpu.dma_semaphore, #tpu.memory_space<semaphore_mem>>)
        %dma_wait3A = arith.constant 0 : i32
        %dma_wait3A_79 = tpu.memref_slice %arg4[%add3A, %mul3A_39, %dma_wait3A] : memref<32x80x128xi32, #tpu.memory_space<hbm>> -> memref<1x16x128xi32, #tpu.memory_space<hbm>>
        %dma_wait3A_80 = tpu.memref_squeeze %dma_wait3A_79 : memref<1x16x128xi32, #tpu.memory_space<hbm>> -> memref<16x128xi32, #tpu.memory_space<hbm>>
        %dma_wait3A_81 = arith.constant 0 : i32
        %dma_wait3A_82 = tpu.memref_slice %arg4[%add3A, %mul3A_39, %dma_wait3A_81] : memref<32x80x128xi32, #tpu.memory_space<hbm>> -> memref<1x16x128xi32, #tpu.memory_space<hbm>>
        %dma_wait3A_83 = tpu.memref_squeeze %dma_wait3A_82 : memref<1x16x128xi32, #tpu.memory_space<hbm>> -> memref<16x128xi32, #tpu.memory_space<hbm>>
        tpu.wait_dma2 semaphore(%run_scoped3A : memref<!tpu.dma_semaphore, #tpu.memory_space<semaphore_mem>>) src(%dma_wait3A_83 : memref<16x128xi32, #tpu.memory_space<hbm>>) dst(%arg7 : memref<16x128xi32, #tpu.memory_space<vmem>>)
        tpu.yield
      }) : () -> ()
      %dma_start3A = arith.constant 0 : i32
      %dma_start3A_40 = arith.constant 0 : i32
      %dma_start3A_41 = tpu.memref_slice %arg6[%dma_start3A, %dma_start3A_40] : memref<16x128xi32, #tpu.memory_space<vmem>> -> memref<1x64xi32, #tpu.memory_space<vmem>>
      %dma_start3A_42 = tpu.memref_squeeze %dma_start3A_41 : memref<1x64xi32, #tpu.memory_space<vmem>> -> memref<64xi32, #tpu.memory_space<vmem>>
      %dma_start3A_43 = arith.constant 0 : i32
      %dma_start3A_44 = arith.constant 0 : i32
      %dma_start3A_45 = tpu.memref_slice %arg2[%dma_start3A_43, %dma_start3A_44] : memref<10000x128xf32, #tpu.memory_space<hbm>> -> memref<10000x128xf32, #tpu.memory_space<hbm>>
      tpu.enqueue_indirect_dma source(%dma_start3A_45 : memref<10000x128xf32, #tpu.memory_space<hbm>>) target(%arg8 : memref<64x128xf32, #tpu.memory_space<vmem>>) offsets(%dma_start3A_42 : memref<64xi32, #tpu.memory_space<vmem>>) semaphore(%arg13 : memref<!tpu.dma_semaphore, #tpu.memory_space<semaphore_mem>>)
      %dma_start3A_46 = arith.constant 0 : i32
      %dma_start3A_47 = arith.constant 64 : i32
      %dma_start3A_48 = tpu.memref_slice %arg6[%dma_start3A_46, %dma_start3A_47] : memref<16x128xi32, #tpu.memory_space<vmem>> -> memref<1x64xi32, #tpu.memory_space<vmem>>
      %dma_start3A_49 = tpu.memref_squeeze %dma_start3A_48 : memref<1x64xi32, #tpu.memory_space<vmem>> -> memref<64xi32, #tpu.memory_space<vmem>>
      %dma_start3A_50 = arith.constant 0 : i32
      %dma_start3A_51 = arith.constant 0 : i32
      %dma_start3A_52 = tpu.memref_slice %arg2[%dma_start3A_50, %dma_start3A_51] : memref<10000x128xf32, #tpu.memory_space<hbm>> -> memref<10000x128xf32, #tpu.memory_space<hbm>>
      tpu.enqueue_indirect_dma source(%dma_start3A_52 : memref<10000x128xf32, #tpu.memory_space<hbm>>) target(%arg9 : memref<64x128xf32, #tpu.memory_space<vmem>>) offsets(%dma_start3A_49 : memref<64xi32, #tpu.memory_space<vmem>>) semaphore(%arg14 : memref<!tpu.dma_semaphore, #tpu.memory_space<semaphore_mem>>)
      %dma_start3A_53 = arith.constant 1 : i32
      %dma_start3A_54 = arith.constant 0 : i32
      %dma_start3A_55 = tpu.memref_slice %arg6[%dma_start3A_53, %dma_start3A_54] : memref<16x128xi32, #tpu.memory_space<vmem>> -> memref<1x64xi32, #tpu.memory_space<vmem>>
      %dma_start3A_56 = tpu.memref_squeeze %dma_start3A_55 : memref<1x64xi32, #tpu.memory_space<vmem>> -> memref<64xi32, #tpu.memory_space<vmem>>
      %dma_start3A_57 = arith.constant 0 : i32
      %dma_start3A_58 = arith.constant 0 : i32
      %dma_start3A_59 = tpu.memref_slice %arg2[%dma_start3A_57, %dma_start3A_58] : memref<10000x128xf32, #tpu.memory_space<hbm>> -> memref<10000x128xf32, #tpu.memory_space<hbm>>
      tpu.enqueue_indirect_dma source(%dma_start3A_59 : memref<10000x128xf32, #tpu.memory_space<hbm>>) target(%arg10 : memref<64x128xf32, #tpu.memory_space<vmem>>) offsets(%dma_start3A_56 : memref<64xi32, #tpu.memory_space<vmem>>) semaphore(%arg15 : memref<!tpu.dma_semaphore, #tpu.memory_space<semaphore_mem>>)
      %dma_start3A_60 = arith.constant 1 : i32
      %dma_start3A_61 = arith.constant 64 : i32
      %dma_start3A_62 = tpu.memref_slice %arg6[%dma_start3A_60, %dma_start3A_61] : memref<16x128xi32, #tpu.memory_space<vmem>> -> memref<1x64xi32, #tpu.memory_space<vmem>>
      %dma_start3A_63 = tpu.memref_squeeze %dma_start3A_62 : memref<1x64xi32, #tpu.memory_space<vmem>> -> memref<64xi32, #tpu.memory_space<vmem>>
      %dma_start3A_64 = arith.constant 0 : i32
      %dma_start3A_65 = arith.constant 0 : i32
      %dma_start3A_66 = tpu.memref_slice %arg2[%dma_start3A_64, %dma_start3A_65] : memref<10000x128xf32, #tpu.memory_space<hbm>> -> memref<10000x128xf32, #tpu.memory_space<hbm>>
      tpu.enqueue_indirect_dma source(%dma_start3A_66 : memref<10000x128xf32, #tpu.memory_space<hbm>>) target(%arg11 : memref<64x128xf32, #tpu.memory_space<vmem>>) offsets(%dma_start3A_63 : memref<64xi32, #tpu.memory_space<vmem>>) semaphore(%arg16 : memref<!tpu.dma_semaphore, #tpu.memory_space<semaphore_mem>>)
      %scan3A_67 = arith.constant 0 : i32
      %scan3A_68 = arith.constant 0 : i32
      %scan3A_69 = arith.constant 8 : i32
      %scan3A_70 = arith.addi %scan3A_68, %scan3A_69 : i32
      %scan3A_71 = arith.constant 1 : i32
      scf.for %scan3A_73 = %scan3A_68 to %scan3A_70 step %scan3A_71  : i32 {
        %mul3A_74 = arith.constant 2 : i32
        %mul3A_75 = arith.muli %mul3A_74, %scan3A_73 : i32
        %add3A_76 = arith.constant 0 : i32
        %add3A_77 = arith.addi %mul3A_75, %add3A_76 : i32
        %dma_wait3A = arith.constant 0 : i32
        %dma_wait3A_78 = tpu.memref_slice %arg6[%add3A_77, %dma_wait3A] : memref<16x128xi32, #tpu.memory_space<vmem>> -> memref<1x64xi32, #tpu.memory_space<vmem>>
        %dma_wait3A_79 = tpu.memref_squeeze %dma_wait3A_78 : memref<1x64xi32, #tpu.memory_space<vmem>> -> memref<64xi32, #tpu.memory_space<vmem>>
        %dma_wait3A_80 = arith.constant 0 : i32
        %dma_wait3A_81 = arith.constant 0 : i32
        %dma_wait3A_82 = tpu.memref_slice %arg2[%dma_wait3A_80, %dma_wait3A_81] : memref<10000x128xf32, #tpu.memory_space<hbm>> -> memref<10000x128xf32, #tpu.memory_space<hbm>>
        tpu.wait_indirect_dma semaphore(%arg13 : memref<!tpu.dma_semaphore, #tpu.memory_space<semaphore_mem>>) src(%dma_wait3A_82 : memref<10000x128xf32, #tpu.memory_space<hbm>>) dst(%arg8 : memref<64x128xf32, #tpu.memory_space<vmem>>)
        %mul3A_83 = arith.constant 2 : i32
        %mul3A_84 = arith.muli %mul3A_83, %scan3A_73 : i32
        %add3A_85 = arith.constant 0 : i32
        %add3A_86 = arith.addi %mul3A_84, %add3A_85 : i32
        "tpu.region"() ({
          %run_scoped3A = tpu.sem_alloc : memref<!tpu.dma_semaphore, #tpu.memory_space<semaphore_mem>>
          %dma_start3A_154 = arith.constant 0 : i32
          %dma_start3A_155 = tpu.memref_slice %arg7[%add3A_86, %dma_start3A_154] : memref<16x128xi32, #tpu.memory_space<vmem>> -> memref<1x64xi32, #tpu.memory_space<vmem>>
          %dma_start3A_156 = tpu.memref_squeeze %dma_start3A_155 : memref<1x64xi32, #tpu.memory_space<vmem>> -> memref<64xi32, #tpu.memory_space<vmem>>
          %dma_start3A_157 = arith.constant 0 : i32
          %dma_start3A_158 = arith.constant 0 : i32
          %dma_start3A_159 = tpu.memref_slice %arg12[%dma_start3A_157, %dma_start3A_158] : memref<10112x128xf32, #tpu.memory_space<vmem_shared>> -> memref<10112x128xf32, #tpu.memory_space<vmem_shared>>
          tpu.enqueue_indirect_dma source(%arg8 : memref<64x128xf32, #tpu.memory_space<vmem>>) target(%dma_start3A_159 : memref<10112x128xf32, #tpu.memory_space<vmem_shared>>) offsets(%dma_start3A_156 : memref<64xi32, #tpu.memory_space<vmem>>) semaphore(%run_scoped3A : memref<!tpu.dma_semaphore, #tpu.memory_space<semaphore_mem>>) {add = true}
          %dma_wait3A_160 = arith.constant 0 : i32
          %dma_wait3A_161 = tpu.memref_slice %arg7[%add3A_86, %dma_wait3A_160] : memref<16x128xi32, #tpu.memory_space<vmem>> -> memref<1x64xi32, #tpu.memory_space<vmem>>
          %dma_wait3A_162 = tpu.memref_squeeze %dma_wait3A_161 : memref<1x64xi32, #tpu.memory_space<vmem>> -> memref<64xi32, #tpu.memory_space<vmem>>
          %dma_wait3A_163 = arith.constant 0 : i32
          %dma_wait3A_164 = arith.constant 0 : i32
          %dma_wait3A_165 = tpu.memref_slice %arg12[%dma_wait3A_163, %dma_wait3A_164] : memref<10112x128xf32, #tpu.memory_space<vmem_shared>> -> memref<10112x128xf32, #tpu.memory_space<vmem_shared>>
          tpu.wait_indirect_dma semaphore(%run_scoped3A : memref<!tpu.dma_semaphore, #tpu.memory_space<semaphore_mem>>) src(%arg8 : memref<64x128xf32, #tpu.memory_space<vmem>>) dst(%dma_wait3A_165 : memref<10112x128xf32, #tpu.memory_space<vmem_shared>>)
          tpu.yield
        }) : () -> ()
        %add3A_87 = arith.constant 1 : i32
        %add3A_88 = arith.addi %scan3A_73, %add3A_87 : i32
        %lt3A = arith.constant 8 : i32
        %lt3A_89 = arith.cmpi slt, %add3A_88, %lt3A : i32
        %convert_element_type3A = arith.extui %lt3A_89 : i1 to i32
        %cond3A = arith.constant 0 : i32
        %cond3A_90 = arith.cmpi ne, %convert_element_type3A, %cond3A : i32
        scf.if %cond3A_90 {
          %add3A_154 = arith.constant 1 : i32
          %add3A_155 = arith.addi %scan3A_73, %add3A_154 : i32
          %mul3A_156 = arith.constant 2 : i32
          %mul3A_157 = arith.muli %mul3A_156, %add3A_155 : i32
          %add3A_158 = arith.constant 0 : i32
          %add3A_159 = arith.addi %mul3A_157, %add3A_158 : i32
          %dma_start3A_160 = arith.constant 0 : i32
          %dma_start3A_161 = tpu.memref_slice %arg6[%add3A_159, %dma_start3A_160] : memref<16x128xi32, #tpu.memory_space<vmem>> -> memref<1x64xi32, #tpu.memory_space<vmem>>
          %dma_start3A_162 = tpu.memref_squeeze %dma_start3A_161 : memref<1x64xi32, #tpu.memory_space<vmem>> -> memref<64xi32, #tpu.memory_space<vmem>>
          %dma_start3A_163 = arith.constant 0 : i32
          %dma_start3A_164 = arith.constant 0 : i32
          %dma_start3A_165 = tpu.memref_slice %arg2[%dma_start3A_163, %dma_start3A_164] : memref<10000x128xf32, #tpu.memory_space<hbm>> -> memref<10000x128xf32, #tpu.memory_space<hbm>>
          tpu.enqueue_indirect_dma source(%dma_start3A_165 : memref<10000x128xf32, #tpu.memory_space<hbm>>) target(%arg8 : memref<64x128xf32, #tpu.memory_space<vmem>>) offsets(%dma_start3A_162 : memref<64xi32, #tpu.memory_space<vmem>>) semaphore(%arg13 : memref<!tpu.dma_semaphore, #tpu.memory_space<semaphore_mem>>)
        } else {
        }
        %mul3A_91 = arith.constant 2 : i32
        %mul3A_92 = arith.muli %mul3A_91, %scan3A_73 : i32
        %add3A_93 = arith.constant 0 : i32
        %add3A_94 = arith.addi %mul3A_92, %add3A_93 : i32
        %dma_wait3A_95 = arith.constant 64 : i32
        %dma_wait3A_96 = tpu.memref_slice %arg6[%add3A_94, %dma_wait3A_95] : memref<16x128xi32, #tpu.memory_space<vmem>> -> memref<1x64xi32, #tpu.memory_space<vmem>>
        %dma_wait3A_97 = tpu.memref_squeeze %dma_wait3A_96 : memref<1x64xi32, #tpu.memory_space<vmem>> -> memref<64xi32, #tpu.memory_space<vmem>>
        %dma_wait3A_98 = arith.constant 0 : i32
        %dma_wait3A_99 = arith.constant 0 : i32
        %dma_wait3A_100 = tpu.memref_slice %arg2[%dma_wait3A_98, %dma_wait3A_99] : memref<10000x128xf32, #tpu.memory_space<hbm>> -> memref<10000x128xf32, #tpu.memory_space<hbm>>
        tpu.wait_indirect_dma semaphore(%arg14 : memref<!tpu.dma_semaphore, #tpu.memory_space<semaphore_mem>>) src(%dma_wait3A_100 : memref<10000x128xf32, #tpu.memory_space<hbm>>) dst(%arg9 : memref<64x128xf32, #tpu.memory_space<vmem>>)
        %mul3A_101 = arith.constant 2 : i32
        %mul3A_102 = arith.muli %mul3A_101, %scan3A_73 : i32
        %add3A_103 = arith.constant 0 : i32
        %add3A_104 = arith.addi %mul3A_102, %add3A_103 : i32
        "tpu.region"() ({
          %run_scoped3A = tpu.sem_alloc : memref<!tpu.dma_semaphore, #tpu.memory_space<semaphore_mem>>
          %dma_start3A_154 = arith.constant 64 : i32
          %dma_start3A_155 = tpu.memref_slice %arg7[%add3A_104, %dma_start3A_154] : memref<16x128xi32, #tpu.memory_space<vmem>> -> memref<1x64xi32, #tpu.memory_space<vmem>>
          %dma_start3A_156 = tpu.memref_squeeze %dma_start3A_155 : memref<1x64xi32, #tpu.memory_space<vmem>> -> memref<64xi32, #tpu.memory_space<vmem>>
          %dma_start3A_157 = arith.constant 0 : i32
          %dma_start3A_158 = arith.constant 0 : i32
          %dma_start3A_159 = tpu.memref_slice %arg12[%dma_start3A_157, %dma_start3A_158] : memref<10112x128xf32, #tpu.memory_space<vmem_shared>> -> memref<10112x128xf32, #tpu.memory_space<vmem_shared>>
          tpu.enqueue_indirect_dma source(%arg9 : memref<64x128xf32, #tpu.memory_space<vmem>>) target(%dma_start3A_159 : memref<10112x128xf32, #tpu.memory_space<vmem_shared>>) offsets(%dma_start3A_156 : memref<64xi32, #tpu.memory_space<vmem>>) semaphore(%run_scoped3A : memref<!tpu.dma_semaphore, #tpu.memory_space<semaphore_mem>>) {add = true}
          %dma_wait3A_160 = arith.constant 64 : i32
          %dma_wait3A_161 = tpu.memref_slice %arg7[%add3A_104, %dma_wait3A_160] : memref<16x128xi32, #tpu.memory_space<vmem>> -> memref<1x64xi32, #tpu.memory_space<vmem>>
          %dma_wait3A_162 = tpu.memref_squeeze %dma_wait3A_161 : memref<1x64xi32, #tpu.memory_space<vmem>> -> memref<64xi32, #tpu.memory_space<vmem>>
          %dma_wait3A_163 = arith.constant 0 : i32
          %dma_wait3A_164 = arith.constant 0 : i32
          %dma_wait3A_165 = tpu.memref_slice %arg12[%dma_wait3A_163, %dma_wait3A_164] : memref<10112x128xf32, #tpu.memory_space<vmem_shared>> -> memref<10112x128xf32, #tpu.memory_space<vmem_shared>>
          tpu.wait_indirect_dma semaphore(%run_scoped3A : memref<!tpu.dma_semaphore, #tpu.memory_space<semaphore_mem>>) src(%arg9 : memref<64x128xf32, #tpu.memory_space<vmem>>) dst(%dma_wait3A_165 : memref<10112x128xf32, #tpu.memory_space<vmem_shared>>)
          tpu.yield
        }) : () -> ()
        %add3A_105 = arith.constant 1 : i32
        %add3A_106 = arith.addi %scan3A_73, %add3A_105 : i32
        %lt3A_107 = arith.constant 8 : i32
        %lt3A_108 = arith.cmpi slt, %add3A_106, %lt3A_107 : i32
        %convert_element_type3A_109 = arith.extui %lt3A_108 : i1 to i32
        %cond3A_110 = arith.constant 0 : i32
        %cond3A_111 = arith.cmpi ne, %convert_element_type3A_109, %cond3A_110 : i32
        scf.if %cond3A_111 {
          %add3A_154 = arith.constant 1 : i32
          %add3A_155 = arith.addi %scan3A_73, %add3A_154 : i32
          %mul3A_156 = arith.constant 2 : i32
          %mul3A_157 = arith.muli %mul3A_156, %add3A_155 : i32
          %add3A_158 = arith.constant 0 : i32
          %add3A_159 = arith.addi %mul3A_157, %add3A_158 : i32
          %dma_start3A_160 = arith.constant 64 : i32
          %dma_start3A_161 = tpu.memref_slice %arg6[%add3A_159, %dma_start3A_160] : memref<16x128xi32, #tpu.memory_space<vmem>> -> memref<1x64xi32, #tpu.memory_space<vmem>>
          %dma_start3A_162 = tpu.memref_squeeze %dma_start3A_161 : memref<1x64xi32, #tpu.memory_space<vmem>> -> memref<64xi32, #tpu.memory_space<vmem>>
          %dma_start3A_163 = arith.constant 0 : i32
          %dma_start3A_164 = arith.constant 0 : i32
          %dma_start3A_165 = tpu.memref_slice %arg2[%dma_start3A_163, %dma_start3A_164] : memref<10000x128xf32, #tpu.memory_space<hbm>> -> memref<10000x128xf32, #tpu.memory_space<hbm>>
          tpu.enqueue_indirect_dma source(%dma_start3A_165 : memref<10000x128xf32, #tpu.memory_space<hbm>>) target(%arg9 : memref<64x128xf32, #tpu.memory_space<vmem>>) offsets(%dma_start3A_162 : memref<64xi32, #tpu.memory_space<vmem>>) semaphore(%arg14 : memref<!tpu.dma_semaphore, #tpu.memory_space<semaphore_mem>>)
        } else {
        }
        %mul3A_112 = arith.constant 2 : i32
        %mul3A_113 = arith.muli %mul3A_112, %scan3A_73 : i32
        %add3A_114 = arith.constant 1 : i32
        %add3A_115 = arith.addi %mul3A_113, %add3A_114 : i32
        %dma_wait3A_116 = arith.constant 0 : i32
        %dma_wait3A_117 = tpu.memref_slice %arg6[%add3A_115, %dma_wait3A_116] : memref<16x128xi32, #tpu.memory_space<vmem>> -> memref<1x64xi32, #tpu.memory_space<vmem>>
        %dma_wait3A_118 = tpu.memref_squeeze %dma_wait3A_117 : memref<1x64xi32, #tpu.memory_space<vmem>> -> memref<64xi32, #tpu.memory_space<vmem>>
        %dma_wait3A_119 = arith.constant 0 : i32
        %dma_wait3A_120 = arith.constant 0 : i32
        %dma_wait3A_121 = tpu.memref_slice %arg2[%dma_wait3A_119, %dma_wait3A_120] : memref<10000x128xf32, #tpu.memory_space<hbm>> -> memref<10000x128xf32, #tpu.memory_space<hbm>>
        tpu.wait_indirect_dma semaphore(%arg15 : memref<!tpu.dma_semaphore, #tpu.memory_space<semaphore_mem>>) src(%dma_wait3A_121 : memref<10000x128xf32, #tpu.memory_space<hbm>>) dst(%arg10 : memref<64x128xf32, #tpu.memory_space<vmem>>)
        %mul3A_122 = arith.constant 2 : i32
        %mul3A_123 = arith.muli %mul3A_122, %scan3A_73 : i32
        %add3A_124 = arith.constant 1 : i32
        %add3A_125 = arith.addi %mul3A_123, %add3A_124 : i32
        "tpu.region"() ({
          %run_scoped3A = tpu.sem_alloc : memref<!tpu.dma_semaphore, #tpu.memory_space<semaphore_mem>>
          %dma_start3A_154 = arith.constant 0 : i32
          %dma_start3A_155 = tpu.memref_slice %arg7[%add3A_125, %dma_start3A_154] : memref<16x128xi32, #tpu.memory_space<vmem>> -> memref<1x64xi32, #tpu.memory_space<vmem>>
          %dma_start3A_156 = tpu.memref_squeeze %dma_start3A_155 : memref<1x64xi32, #tpu.memory_space<vmem>> -> memref<64xi32, #tpu.memory_space<vmem>>
          %dma_start3A_157 = arith.constant 0 : i32
          %dma_start3A_158 = arith.constant 0 : i32
          %dma_start3A_159 = tpu.memref_slice %arg12[%dma_start3A_157, %dma_start3A_158] : memref<10112x128xf32, #tpu.memory_space<vmem_shared>> -> memref<10112x128xf32, #tpu.memory_space<vmem_shared>>
          tpu.enqueue_indirect_dma source(%arg10 : memref<64x128xf32, #tpu.memory_space<vmem>>) target(%dma_start3A_159 : memref<10112x128xf32, #tpu.memory_space<vmem_shared>>) offsets(%dma_start3A_156 : memref<64xi32, #tpu.memory_space<vmem>>) semaphore(%run_scoped3A : memref<!tpu.dma_semaphore, #tpu.memory_space<semaphore_mem>>) {add = true}
          %dma_wait3A_160 = arith.constant 0 : i32
          %dma_wait3A_161 = tpu.memref_slice %arg7[%add3A_125, %dma_wait3A_160] : memref<16x128xi32, #tpu.memory_space<vmem>> -> memref<1x64xi32, #tpu.memory_space<vmem>>
          %dma_wait3A_162 = tpu.memref_squeeze %dma_wait3A_161 : memref<1x64xi32, #tpu.memory_space<vmem>> -> memref<64xi32, #tpu.memory_space<vmem>>
          %dma_wait3A_163 = arith.constant 0 : i32
          %dma_wait3A_164 = arith.constant 0 : i32
          %dma_wait3A_165 = tpu.memref_slice %arg12[%dma_wait3A_163, %dma_wait3A_164] : memref<10112x128xf32, #tpu.memory_space<vmem_shared>> -> memref<10112x128xf32, #tpu.memory_space<vmem_shared>>
          tpu.wait_indirect_dma semaphore(%run_scoped3A : memref<!tpu.dma_semaphore, #tpu.memory_space<semaphore_mem>>) src(%arg10 : memref<64x128xf32, #tpu.memory_space<vmem>>) dst(%dma_wait3A_165 : memref<10112x128xf32, #tpu.memory_space<vmem_shared>>)
          tpu.yield
        }) : () -> ()
        %add3A_126 = arith.constant 1 : i32
        %add3A_127 = arith.addi %scan3A_73, %add3A_126 : i32
        %lt3A_128 = arith.constant 8 : i32
        %lt3A_129 = arith.cmpi slt, %add3A_127, %lt3A_128 : i32
        %convert_element_type3A_130 = arith.extui %lt3A_129 : i1 to i32
        %cond3A_131 = arith.constant 0 : i32
        %cond3A_132 = arith.cmpi ne, %convert_element_type3A_130, %cond3A_131 : i32
        scf.if %cond3A_132 {
          %add3A_154 = arith.constant 1 : i32
          %add3A_155 = arith.addi %scan3A_73, %add3A_154 : i32
          %mul3A_156 = arith.constant 2 : i32
          %mul3A_157 = arith.muli %mul3A_156, %add3A_155 : i32
          %add3A_158 = arith.constant 1 : i32
          %add3A_159 = arith.addi %mul3A_157, %add3A_158 : i32
          %dma_start3A_160 = arith.constant 0 : i32
          %dma_start3A_161 = tpu.memref_slice %arg6[%add3A_159, %dma_start3A_160] : memref<16x128xi32, #tpu.memory_space<vmem>> -> memref<1x64xi32, #tpu.memory_space<vmem>>
          %dma_start3A_162 = tpu.memref_squeeze %dma_start3A_161 : memref<1x64xi32, #tpu.memory_space<vmem>> -> memref<64xi32, #tpu.memory_space<vmem>>
          %dma_start3A_163 = arith.constant 0 : i32
          %dma_start3A_164 = arith.constant 0 : i32
          %dma_start3A_165 = tpu.memref_slice %arg2[%dma_start3A_163, %dma_start3A_164] : memref<10000x128xf32, #tpu.memory_space<hbm>> -> memref<10000x128xf32, #tpu.memory_space<hbm>>
          tpu.enqueue_indirect_dma source(%dma_start3A_165 : memref<10000x128xf32, #tpu.memory_space<hbm>>) target(%arg10 : memref<64x128xf32, #tpu.memory_space<vmem>>) offsets(%dma_start3A_162 : memref<64xi32, #tpu.memory_space<vmem>>) semaphore(%arg15 : memref<!tpu.dma_semaphore, #tpu.memory_space<semaphore_mem>>)
        } else {
        }
        %mul3A_133 = arith.constant 2 : i32
        %mul3A_134 = arith.muli %mul3A_133, %scan3A_73 : i32
        %add3A_135 = arith.constant 1 : i32
        %add3A_136 = arith.addi %mul3A_134, %add3A_135 : i32
        %dma_wait3A_137 = arith.constant 64 : i32
        %dma_wait3A_138 = tpu.memref_slice %arg6[%add3A_136, %dma_wait3A_137] : memref<16x128xi32, #tpu.memory_space<vmem>> -> memref<1x64xi32, #tpu.memory_space<vmem>>
        %dma_wait3A_139 = tpu.memref_squeeze %dma_wait3A_138 : memref<1x64xi32, #tpu.memory_space<vmem>> -> memref<64xi32, #tpu.memory_space<vmem>>
        %dma_wait3A_140 = arith.constant 0 : i32
        %dma_wait3A_141 = arith.constant 0 : i32
        %dma_wait3A_142 = tpu.memref_slice %arg2[%dma_wait3A_140, %dma_wait3A_141] : memref<10000x128xf32, #tpu.memory_space<hbm>> -> memref<10000x128xf32, #tpu.memory_space<hbm>>
        tpu.wait_indirect_dma semaphore(%arg16 : memref<!tpu.dma_semaphore, #tpu.memory_space<semaphore_mem>>) src(%dma_wait3A_142 : memref<10000x128xf32, #tpu.memory_space<hbm>>) dst(%arg11 : memref<64x128xf32, #tpu.memory_space<vmem>>)
        %mul3A_143 = arith.constant 2 : i32
        %mul3A_144 = arith.muli %mul3A_143, %scan3A_73 : i32
        %add3A_145 = arith.constant 1 : i32
        %add3A_146 = arith.addi %mul3A_144, %add3A_145 : i32
        "tpu.region"() ({
          %run_scoped3A = tpu.sem_alloc : memref<!tpu.dma_semaphore, #tpu.memory_space<semaphore_mem>>
          %dma_start3A_154 = arith.constant 64 : i32
          %dma_start3A_155 = tpu.memref_slice %arg7[%add3A_146, %dma_start3A_154] : memref<16x128xi32, #tpu.memory_space<vmem>> -> memref<1x64xi32, #tpu.memory_space<vmem>>
          %dma_start3A_156 = tpu.memref_squeeze %dma_start3A_155 : memref<1x64xi32, #tpu.memory_space<vmem>> -> memref<64xi32, #tpu.memory_space<vmem>>
          %dma_start3A_157 = arith.constant 0 : i32
          %dma_start3A_158 = arith.constant 0 : i32
          %dma_start3A_159 = tpu.memref_slice %arg12[%dma_start3A_157, %dma_start3A_158] : memref<10112x128xf32, #tpu.memory_space<vmem_shared>> -> memref<10112x128xf32, #tpu.memory_space<vmem_shared>>
          tpu.enqueue_indirect_dma source(%arg11 : memref<64x128xf32, #tpu.memory_space<vmem>>) target(%dma_start3A_159 : memref<10112x128xf32, #tpu.memory_space<vmem_shared>>) offsets(%dma_start3A_156 : memref<64xi32, #tpu.memory_space<vmem>>) semaphore(%run_scoped3A : memref<!tpu.dma_semaphore, #tpu.memory_space<semaphore_mem>>) {add = true}
          %dma_wait3A_160 = arith.constant 64 : i32
          %dma_wait3A_161 = tpu.memref_slice %arg7[%add3A_146, %dma_wait3A_160] : memref<16x128xi32, #tpu.memory_space<vmem>> -> memref<1x64xi32, #tpu.memory_space<vmem>>
          %dma_wait3A_162 = tpu.memref_squeeze %dma_wait3A_161 : memref<1x64xi32, #tpu.memory_space<vmem>> -> memref<64xi32, #tpu.memory_space<vmem>>
          %dma_wait3A_163 = arith.constant 0 : i32
          %dma_wait3A_164 = arith.constant 0 : i32
          %dma_wait3A_165 = tpu.memref_slice %arg12[%dma_wait3A_163, %dma_wait3A_164] : memref<10112x128xf32, #tpu.memory_space<vmem_shared>> -> memref<10112x128xf32, #tpu.memory_space<vmem_shared>>
          tpu.wait_indirect_dma semaphore(%run_scoped3A : memref<!tpu.dma_semaphore, #tpu.memory_space<semaphore_mem>>) src(%arg11 : memref<64x128xf32, #tpu.memory_space<vmem>>) dst(%dma_wait3A_165 : memref<10112x128xf32, #tpu.memory_space<vmem_shared>>)
          tpu.yield
        }) : () -> ()
        %add3A_147 = arith.constant 1 : i32
        %add3A_148 = arith.addi %scan3A_73, %add3A_147 : i32
        %lt3A_149 = arith.constant 8 : i32
        %lt3A_150 = arith.cmpi slt, %add3A_148, %lt3A_149 : i32
        %convert_element_type3A_151 = arith.extui %lt3A_150 : i1 to i32
        %cond3A_152 = arith.constant 0 : i32
        %cond3A_153 = arith.cmpi ne, %convert_element_type3A_151, %cond3A_152 : i32
        scf.if %cond3A_153 {
          %add3A_154 = arith.constant 1 : i32
          %add3A_155 = arith.addi %scan3A_73, %add3A_154 : i32
          %mul3A_156 = arith.constant 2 : i32
          %mul3A_157 = arith.muli %mul3A_156, %add3A_155 : i32
          %add3A_158 = arith.constant 1 : i32
          %add3A_159 = arith.addi %mul3A_157, %add3A_158 : i32
          %dma_start3A_160 = arith.constant 64 : i32
          %dma_start3A_161 = tpu.memref_slice %arg6[%add3A_159, %dma_start3A_160] : memref<16x128xi32, #tpu.memory_space<vmem>> -> memref<1x64xi32, #tpu.memory_space<vmem>>
          %dma_start3A_162 = tpu.memref_squeeze %dma_start3A_161 : memref<1x64xi32, #tpu.memory_space<vmem>> -> memref<64xi32, #tpu.memory_space<vmem>>
          %dma_start3A_163 = arith.constant 0 : i32
          %dma_start3A_164 = arith.constant 0 : i32
          %dma_start3A_165 = tpu.memref_slice %arg2[%dma_start3A_163, %dma_start3A_164] : memref<10000x128xf32, #tpu.memory_space<hbm>> -> memref<10000x128xf32, #tpu.memory_space<hbm>>
          tpu.enqueue_indirect_dma source(%dma_start3A_165 : memref<10000x128xf32, #tpu.memory_space<hbm>>) target(%arg11 : memref<64x128xf32, #tpu.memory_space<vmem>>) offsets(%dma_start3A_162 : memref<64xi32, #tpu.memory_space<vmem>>) semaphore(%arg16 : memref<!tpu.dma_semaphore, #tpu.memory_space<semaphore_mem>>)
        } else {
        }
      }
      %scan3A_72 = arith.constant 8 : i32
    }
    %scan3A_33 = arith.constant 5 : i32
    %barrier3A_34 = arith.constant 0 : index
    tpu.barrier barrier_id(%barrier3A_34)
    "tpu.region"() ({
      %run_scoped3A = tpu.sem_alloc : memref<!tpu.dma_semaphore, #tpu.memory_space<semaphore_mem>>
      %dma_start3A = arith.constant 0 : i32
      %dma_start3A_35 = tpu.memref_slice %arg5[%arg0, %mul3A_7, %dma_start3A] : memref<2x10112x128xf32, #tpu.memory_space<hbm>> -> memref<1x632x128xf32, #tpu.memory_space<hbm>>
      %dma_start3A_36 = tpu.memref_squeeze %dma_start3A_35 : memref<1x632x128xf32, #tpu.memory_space<hbm>> -> memref<632x128xf32, #tpu.memory_space<hbm>>
      %dma_start3A_37 = arith.constant 0 : i32
      %dma_start3A_38 = tpu.memref_slice %arg12[%mul3A_7, %dma_start3A_37] : memref<10112x128xf32, #tpu.memory_space<vmem_shared>> -> memref<632x128xf32, #tpu.memory_space<vmem_shared>>
      tpu.enqueue_dma source(%dma_start3A_38 : memref<632x128xf32, #tpu.memory_space<vmem_shared>>) target(%dma_start3A_36 : memref<632x128xf32, #tpu.memory_space<hbm>>) target_semaphore(%run_scoped3A : memref<!tpu.dma_semaphore, #tpu.memory_space<semaphore_mem>>)
      %dma_wait3A = arith.constant 0 : i32
      %dma_wait3A_39 = tpu.memref_slice %arg5[%arg0, %mul3A_7, %dma_wait3A] : memref<2x10112x128xf32, #tpu.memory_space<hbm>> -> memref<1x632x128xf32, #tpu.memory_space<hbm>>
      %dma_wait3A_40 = tpu.memref_squeeze %dma_wait3A_39 : memref<1x632x128xf32, #tpu.memory_space<hbm>> -> memref<632x128xf32, #tpu.memory_space<hbm>>
      %dma_wait3A_41 = arith.constant 0 : i32
      %dma_wait3A_42 = tpu.memref_slice %arg12[%mul3A_7, %dma_wait3A_41] : memref<10112x128xf32, #tpu.memory_space<vmem_shared>> -> memref<632x128xf32, #tpu.memory_space<vmem_shared>>
      tpu.wait_dma2 semaphore(%run_scoped3A : memref<!tpu.dma_semaphore, #tpu.memory_space<semaphore_mem>>) src(%dma_wait3A_42 : memref<632x128xf32, #tpu.memory_space<vmem_shared>>) dst(%dma_wait3A_40 : memref<632x128xf32, #tpu.memory_space<hbm>>)
      tpu.yield
    }) : () -> ()
    return
  }
}

#map = affine_map<(d0, d1) -> (0, 0)>
#map1 = affine_map<(d0, d1) -> (0, 0, 0)>
module attributes {stable_mosaic.version = 14 : i64} {
  func.func @sc_fn(%arg0: i32, %arg1: i32, %arg2: memref<10000x128xf32, #tpu.memory_space<hbm>>, %arg3: memref<32x80x128xi32, #tpu.memory_space<hbm>>, %arg4: memref<32x80x128xi32, #tpu.memory_space<hbm>>, %arg5: memref<2x10112x128xf32, #tpu.memory_space<hbm>>, %arg6: memref<16x128xi32, #tpu.memory_space<vmem>>, %arg7: memref<16x128xi32, #tpu.memory_space<vmem>>, %arg8: memref<64x128xf32, #tpu.memory_space<vmem>>, %arg9: memref<64x128xf32, #tpu.memory_space<vmem>>, %arg10: memref<64x128xf32, #tpu.memory_space<vmem>>, %arg11: memref<64x128xf32, #tpu.memory_space<vmem>>, %arg12: memref<10112x128xf32, #tpu.memory_space<vmem_shared>>, %arg13: memref<!tpu.dma_semaphore, #tpu.memory_space<semaphore_mem>>, %arg14: memref<!tpu.dma_semaphore, #tpu.memory_space<semaphore_mem>>, %arg15: memref<!tpu.dma_semaphore, #tpu.memory_space<semaphore_mem>>, %arg16: memref<!tpu.dma_semaphore, #tpu.memory_space<semaphore_mem>>) attributes {dimension_semantics = [#tpu.dimension_semantics<core_parallel>, #tpu.dimension_semantics<subcore_parallel>], iteration_bounds = array<i64: 2, 16>, scalar_prefetch = 0 : i64, scratch_operands = 11 : i64, tpu.core_type = #tpu.core_type<sc_vector_subcore>, window_params = [{transform_indices = #map}, {transform_indices = #map1}, {transform_indices = #map1}, {transform_indices = #map1}]} {
    %mul3A = arith.constant 2 : i32
    %mul3A_0 = arith.muli %arg1, %mul3A : i32
    %add3A = arith.addi %mul3A_0, %arg0 : i32
    %scan3A = arith.constant 0 : i32
    %scan3A_1 = arith.constant 0 : i32
    %scan3A_2 = arith.constant 64 : i32
    %scan3A_3 = arith.addi %scan3A_1, %scan3A_2 : i32
    %scan3A_4 = arith.constant 1 : i32
    scf.for %scan3A_35 = %scan3A_1 to %scan3A_3 step %scan3A_4  : i32 {
      %broadcast_in_dim3A = arith.constant 0.000000e+00 : f32
      %broadcast_in_dim3A_36 = vector.broadcast %broadcast_in_dim3A : f32 to vector<16xf32>
      %swap3A = arith.index_cast %scan3A_35 : i32 to index
      %swap3A_37 = arith.constant 0 : index
      %swap3A_38 = tpu.vector_load %arg8[%swap3A, %swap3A_37] {strides = array<i32>} : memref<64x128xf32, #tpu.memory_space<vmem>>, vector<1x16xf32>,
      %swap3A_39 = vector.shape_cast %swap3A_38 : vector<1x16xf32> to vector<16xf32>
      %swap3A_40 = vector.shape_cast %broadcast_in_dim3A_36 : vector<16xf32> to vector<1x16xf32>
      tpu.vector_store %arg8[%swap3A, %swap3A_37], %swap3A_40 {strides = array<i32>} : memref<64x128xf32, #tpu.memory_space<vmem>>, vector<1x16xf32>,
      %broadcast_in_dim3A_41 = arith.constant 0.000000e+00 : f32
      %broadcast_in_dim3A_42 = vector.broadcast %broadcast_in_dim3A_41 : f32 to vector<16xf32>
      %swap3A_43 = arith.index_cast %scan3A_35 : i32 to index
      %swap3A_44 = arith.constant 16 : index
      %swap3A_45 = tpu.vector_load %arg8[%swap3A_43, %swap3A_44] {strides = array<i32>} : memref<64x128xf32, #tpu.memory_space<vmem>>, vector<1x16xf32>,
      %swap3A_46 = vector.shape_cast %swap3A_45 : vector<1x16xf32> to vector<16xf32>
      %swap3A_47 = vector.shape_cast %broadcast_in_dim3A_42 : vector<16xf32> to vector<1x16xf32>
      tpu.vector_store %arg8[%swap3A_43, %swap3A_44], %swap3A_47 {strides = array<i32>} : memref<64x128xf32, #tpu.memory_space<vmem>>, vector<1x16xf32>,
      %broadcast_in_dim3A_48 = arith.constant 0.000000e+00 : f32
      %broadcast_in_dim3A_49 = vector.broadcast %broadcast_in_dim3A_48 : f32 to vector<16xf32>
      %swap3A_50 = arith.index_cast %scan3A_35 : i32 to index
      %swap3A_51 = arith.constant 32 : index
      %swap3A_52 = tpu.vector_load %arg8[%swap3A_50, %swap3A_51] {strides = array<i32>} : memref<64x128xf32, #tpu.memory_space<vmem>>, vector<1x16xf32>,
      %swap3A_53 = vector.shape_cast %swap3A_52 : vector<1x16xf32> to vector<16xf32>
      %swap3A_54 = vector.shape_cast %broadcast_in_dim3A_49 : vector<16xf32> to vector<1x16xf32>
      tpu.vector_store %arg8[%swap3A_50, %swap3A_51], %swap3A_54 {strides = array<i32>} : memref<64x128xf32, #tpu.memory_space<vmem>>, vector<1x16xf32>,
      %broadcast_in_dim3A_55 = arith.constant 0.000000e+00 : f32
      %broadcast_in_dim3A_56 = vector.broadcast %broadcast_in_dim3A_55 : f32 to vector<16xf32>
      %swap3A_57 = arith.index_cast %scan3A_35 : i32 to index
      %swap3A_58 = arith.constant 48 : index
      %swap3A_59 = tpu.vector_load %arg8[%swap3A_57, %swap3A_58] {strides = array<i32>} : memref<64x128xf32, #tpu.memory_space<vmem>>, vector<1x16xf32>,
      %swap3A_60 = vector.shape_cast %swap3A_59 : vector<1x16xf32> to vector<16xf32>
      %swap3A_61 = vector.shape_cast %broadcast_in_dim3A_56 : vector<16xf32> to vector<1x16xf32>
      tpu.vector_store %arg8[%swap3A_57, %swap3A_58], %swap3A_61 {strides = array<i32>} : memref<64x128xf32, #tpu.memory_space<vmem>>, vector<1x16xf32>,
      %broadcast_in_dim3A_62 = arith.constant 0.000000e+00 : f32
      %broadcast_in_dim3A_63 = vector.broadcast %broadcast_in_dim3A_62 : f32 to vector<16xf32>
      %swap3A_64 = arith.index_cast %scan3A_35 : i32 to index
      %swap3A_65 = arith.constant 64 : index
      %swap3A_66 = tpu.vector_load %arg8[%swap3A_64, %swap3A_65] {strides = array<i32>} : memref<64x128xf32, #tpu.memory_space<vmem>>, vector<1x16xf32>,
      %swap3A_67 = vector.shape_cast %swap3A_66 : vector<1x16xf32> to vector<16xf32>
      %swap3A_68 = vector.shape_cast %broadcast_in_dim3A_63 : vector<16xf32> to vector<1x16xf32>
      tpu.vector_store %arg8[%swap3A_64, %swap3A_65], %swap3A_68 {strides = array<i32>} : memref<64x128xf32, #tpu.memory_space<vmem>>, vector<1x16xf32>,
      %broadcast_in_dim3A_69 = arith.constant 0.000000e+00 : f32
      %broadcast_in_dim3A_70 = vector.broadcast %broadcast_in_dim3A_69 : f32 to vector<16xf32>
      %swap3A_71 = arith.index_cast %scan3A_35 : i32 to index
      %swap3A_72 = arith.constant 80 : index
      %swap3A_73 = tpu.vector_load %arg8[%swap3A_71, %swap3A_72] {strides = array<i32>} : memref<64x128xf32, #tpu.memory_space<vmem>>, vector<1x16xf32>,
      %swap3A_74 = vector.shape_cast %swap3A_73 : vector<1x16xf32> to vector<16xf32>
      %swap3A_75 = vector.shape_cast %broadcast_in_dim3A_70 : vector<16xf32> to vector<1x16xf32>
      tpu.vector_store %arg8[%swap3A_71, %swap3A_72], %swap3A_75 {strides = array<i32>} : memref<64x128xf32, #tpu.memory_space<vmem>>, vector<1x16xf32>,
      %broadcast_in_dim3A_76 = arith.constant 0.000000e+00 : f32
      %broadcast_in_dim3A_77 = vector.broadcast %broadcast_in_dim3A_76 : f32 to vector<16xf32>
      %swap3A_78 = arith.index_cast %scan3A_35 : i32 to index
      %swap3A_79 = arith.constant 96 : index
      %swap3A_80 = tpu.vector_load %arg8[%swap3A_78, %swap3A_79] {strides = array<i32>} : memref<64x128xf32, #tpu.memory_space<vmem>>, vector<1x16xf32>,
      %swap3A_81 = vector.shape_cast %swap3A_80 : vector<1x16xf32> to vector<16xf32>
      %swap3A_82 = vector.shape_cast %broadcast_in_dim3A_77 : vector<16xf32> to vector<1x16xf32>
      tpu.vector_store %arg8[%swap3A_78, %swap3A_79], %swap3A_82 {strides = array<i32>} : memref<64x128xf32, #tpu.memory_space<vmem>>, vector<1x16xf32>,
      %broadcast_in_dim3A_83 = arith.constant 0.000000e+00 : f32
      %broadcast_in_dim3A_84 = vector.broadcast %broadcast_in_dim3A_83 : f32 to vector<16xf32>
      %swap3A_85 = arith.index_cast %scan3A_35 : i32 to index
      %swap3A_86 = arith.constant 112 : index
      %swap3A_87 = tpu.vector_load %arg8[%swap3A_85, %swap3A_86] {strides = array<i32>} : memref<64x128xf32, #tpu.memory_space<vmem>>, vector<1x16xf32>,
      %swap3A_88 = vector.shape_cast %swap3A_87 : vector<1x16xf32> to vector<16xf32>
      %swap3A_89 = vector.shape_cast %broadcast_in_dim3A_84 : vector<16xf32> to vector<1x16xf32>
      tpu.vector_store %arg8[%swap3A_85, %swap3A_86], %swap3A_89 {strides = array<i32>} : memref<64x128xf32, #tpu.memory_space<vmem>>, vector<1x16xf32>,
    }
    %scan3A_5 = arith.constant 64 : i32
    %mul3A_6 = arith.constant 632 : i32
    %mul3A_7 = arith.muli %arg1, %mul3A_6 : i32
    %add3A_8 = arith.constant 0 : i32
    %add3A_9 = arith.addi %mul3A_7, %add3A_8 : i32
    "tpu.region"() ({
      %run_scoped3A = tpu.sem_alloc : memref<!tpu.dma_semaphore, #tpu.memory_space<semaphore_mem>>
      %dma_start3A = arith.constant 0 : i32
      %dma_start3A_35 = tpu.memref_slice %arg12[%add3A_9, %dma_start3A] : memref<10112x128xf32, #tpu.memory_space<vmem_shared>> -> memref<64x128xf32, #tpu.memory_space<vmem_shared>>
      %dma_start3A_36 = arith.constant 0 : i32
      %dma_start3A_37 = tpu.memref_slice %arg12[%add3A_9, %dma_start3A_36] : memref<10112x128xf32, #tpu.memory_space<vmem_shared>> -> memref<64x128xf32, #tpu.memory_space<vmem_shared>>
      tpu.enqueue_dma source(%arg8 : memref<64x128xf32, #tpu.memory_space<vmem>>) target(%dma_start3A_37 : memref<64x128xf32, #tpu.memory_space<vmem_shared>>) target_semaphore(%run_scoped3A : memref<!tpu.dma_semaphore, #tpu.memory_space<semaphore_mem>>)
      %dma_wait3A = arith.constant 0 : i32
      %dma_wait3A_38 = tpu.memref_slice %arg12[%add3A_9, %dma_wait3A] : memref<10112x128xf32, #tpu.memory_space<vmem_shared>> -> memref<64x128xf32, #tpu.memory_space<vmem_shared>>
      %dma_wait3A_39 = arith.constant 0 : i32
      %dma_wait3A_40 = tpu.memref_slice %arg12[%add3A_9, %dma_wait3A_39] : memref<10112x128xf32, #tpu.memory_space<vmem_shared>> -> memref<64x128xf32, #tpu.memory_space<vmem_shared>>
      tpu.wait_dma2 semaphore(%run_scoped3A : memref<!tpu.dma_semaphore, #tpu.memory_space<semaphore_mem>>) src(%arg8 : memref<64x128xf32, #tpu.memory_space<vmem>>) dst(%dma_wait3A_40 : memref<64x128xf32, #tpu.memory_space<vmem_shared>>)
      tpu.yield
    }) : () -> ()
    %add3A_10 = arith.constant 64 : i32
    %add3A_11 = arith.addi %mul3A_7, %add3A_10 : i32
    "tpu.region"() ({
      %run_scoped3A = tpu.sem_alloc : memref<!tpu.dma_semaphore, #tpu.memory_space<semaphore_mem>>
      %dma_start3A = arith.constant 0 : i32
      %dma_start3A_35 = tpu.memref_slice %arg12[%add3A_11, %dma_start3A] : memref<10112x128xf32, #tpu.memory_space<vmem_shared>> -> memref<64x128xf32, #tpu.memory_space<vmem_shared>>
      %dma_start3A_36 = arith.constant 0 : i32
      %dma_start3A_37 = tpu.memref_slice %arg12[%add3A_11, %dma_start3A_36] : memref<10112x128xf32, #tpu.memory_space<vmem_shared>> -> memref<64x128xf32, #tpu.memory_space<vmem_shared>>
      tpu.enqueue_dma source(%arg8 : memref<64x128xf32, #tpu.memory_space<vmem>>) target(%dma_start3A_37 : memref<64x128xf32, #tpu.memory_space<vmem_shared>>) target_semaphore(%run_scoped3A : memref<!tpu.dma_semaphore, #tpu.memory_space<semaphore_mem>>)
      %dma_wait3A = arith.constant 0 : i32
      %dma_wait3A_38 = tpu.memref_slice %arg12[%add3A_11, %dma_wait3A] : memref<10112x128xf32, #tpu.memory_space<vmem_shared>> -> memref<64x128xf32, #tpu.memory_space<vmem_shared>>
      %dma_wait3A_39 = arith.constant 0 : i32
      %dma_wait3A_40 = tpu.memref_slice %arg12[%add3A_11, %dma_wait3A_39] : memref<10112x128xf32, #tpu.memory_space<vmem_shared>> -> memref<64x128xf32, #tpu.memory_space<vmem_shared>>
      tpu.wait_dma2 semaphore(%run_scoped3A : memref<!tpu.dma_semaphore, #tpu.memory_space<semaphore_mem>>) src(%arg8 : memref<64x128xf32, #tpu.memory_space<vmem>>) dst(%dma_wait3A_40 : memref<64x128xf32, #tpu.memory_space<vmem_shared>>)
      tpu.yield
    }) : () -> ()
    %add3A_12 = arith.constant 128 : i32
    %add3A_13 = arith.addi %mul3A_7, %add3A_12 : i32
    "tpu.region"() ({
      %run_scoped3A = tpu.sem_alloc : memref<!tpu.dma_semaphore, #tpu.memory_space<semaphore_mem>>
      %dma_start3A = arith.constant 0 : i32
      %dma_start3A_35 = tpu.memref_slice %arg12[%add3A_13, %dma_start3A] : memref<10112x128xf32, #tpu.memory_space<vmem_shared>> -> memref<64x128xf32, #tpu.memory_space<vmem_shared>>
      %dma_start3A_36 = arith.constant 0 : i32
      %dma_start3A_37 = tpu.memref_slice %arg12[%add3A_13, %dma_start3A_36] : memref<10112x128xf32, #tpu.memory_space<vmem_shared>> -> memref<64x128xf32, #tpu.memory_space<vmem_shared>>
      tpu.enqueue_dma source(%arg8 : memref<64x128xf32, #tpu.memory_space<vmem>>) target(%dma_start3A_37 : memref<64x128xf32, #tpu.memory_space<vmem_shared>>) target_semaphore(%run_scoped3A : memref<!tpu.dma_semaphore, #tpu.memory_space<semaphore_mem>>)
      %dma_wait3A = arith.constant 0 : i32
      %dma_wait3A_38 = tpu.memref_slice %arg12[%add3A_13, %dma_wait3A] : memref<10112x128xf32, #tpu.memory_space<vmem_shared>> -> memref<64x128xf32, #tpu.memory_space<vmem_shared>>
      %dma_wait3A_39 = arith.constant 0 : i32
      %dma_wait3A_40 = tpu.memref_slice %arg12[%add3A_13, %dma_wait3A_39] : memref<10112x128xf32, #tpu.memory_space<vmem_shared>> -> memref<64x128xf32, #tpu.memory_space<vmem_shared>>
      tpu.wait_dma2 semaphore(%run_scoped3A : memref<!tpu.dma_semaphore, #tpu.memory_space<semaphore_mem>>) src(%arg8 : memref<64x128xf32, #tpu.memory_space<vmem>>) dst(%dma_wait3A_40 : memref<64x128xf32, #tpu.memory_space<vmem_shared>>)
      tpu.yield
    }) : () -> ()
    %add3A_14 = arith.constant 192 : i32
    %add3A_15 = arith.addi %mul3A_7, %add3A_14 : i32
    "tpu.region"() ({
      %run_scoped3A = tpu.sem_alloc : memref<!tpu.dma_semaphore, #tpu.memory_space<semaphore_mem>>
      %dma_start3A = arith.constant 0 : i32
      %dma_start3A_35 = tpu.memref_slice %arg12[%add3A_15, %dma_start3A] : memref<10112x128xf32, #tpu.memory_space<vmem_shared>> -> memref<64x128xf32, #tpu.memory_space<vmem_shared>>
      %dma_start3A_36 = arith.constant 0 : i32
      %dma_start3A_37 = tpu.memref_slice %arg12[%add3A_15, %dma_start3A_36] : memref<10112x128xf32, #tpu.memory_space<vmem_shared>> -> memref<64x128xf32, #tpu.memory_space<vmem_shared>>
      tpu.enqueue_dma source(%arg8 : memref<64x128xf32, #tpu.memory_space<vmem>>) target(%dma_start3A_37 : memref<64x128xf32, #tpu.memory_space<vmem_shared>>) target_semaphore(%run_scoped3A : memref<!tpu.dma_semaphore, #tpu.memory_space<semaphore_mem>>)
      %dma_wait3A = arith.constant 0 : i32
      %dma_wait3A_38 = tpu.memref_slice %arg12[%add3A_15, %dma_wait3A] : memref<10112x128xf32, #tpu.memory_space<vmem_shared>> -> memref<64x128xf32, #tpu.memory_space<vmem_shared>>
      %dma_wait3A_39 = arith.constant 0 : i32
      %dma_wait3A_40 = tpu.memref_slice %arg12[%add3A_15, %dma_wait3A_39] : memref<10112x128xf32, #tpu.memory_space<vmem_shared>> -> memref<64x128xf32, #tpu.memory_space<vmem_shared>>
      tpu.wait_dma2 semaphore(%run_scoped3A : memref<!tpu.dma_semaphore, #tpu.memory_space<semaphore_mem>>) src(%arg8 : memref<64x128xf32, #tpu.memory_space<vmem>>) dst(%dma_wait3A_40 : memref<64x128xf32, #tpu.memory_space<vmem_shared>>)
      tpu.yield
    }) : () -> ()
    %add3A_16 = arith.constant 256 : i32
    %add3A_17 = arith.addi %mul3A_7, %add3A_16 : i32
    "tpu.region"() ({
      %run_scoped3A = tpu.sem_alloc : memref<!tpu.dma_semaphore, #tpu.memory_space<semaphore_mem>>
      %dma_start3A = arith.constant 0 : i32
      %dma_start3A_35 = tpu.memref_slice %arg12[%add3A_17, %dma_start3A] : memref<10112x128xf32, #tpu.memory_space<vmem_shared>> -> memref<64x128xf32, #tpu.memory_space<vmem_shared>>
      %dma_start3A_36 = arith.constant 0 : i32
      %dma_start3A_37 = tpu.memref_slice %arg12[%add3A_17, %dma_start3A_36] : memref<10112x128xf32, #tpu.memory_space<vmem_shared>> -> memref<64x128xf32, #tpu.memory_space<vmem_shared>>
      tpu.enqueue_dma source(%arg8 : memref<64x128xf32, #tpu.memory_space<vmem>>) target(%dma_start3A_37 : memref<64x128xf32, #tpu.memory_space<vmem_shared>>) target_semaphore(%run_scoped3A : memref<!tpu.dma_semaphore, #tpu.memory_space<semaphore_mem>>)
      %dma_wait3A = arith.constant 0 : i32
      %dma_wait3A_38 = tpu.memref_slice %arg12[%add3A_17, %dma_wait3A] : memref<10112x128xf32, #tpu.memory_space<vmem_shared>> -> memref<64x128xf32, #tpu.memory_space<vmem_shared>>
      %dma_wait3A_39 = arith.constant 0 : i32
      %dma_wait3A_40 = tpu.memref_slice %arg12[%add3A_17, %dma_wait3A_39] : memref<10112x128xf32, #tpu.memory_space<vmem_shared>> -> memref<64x128xf32, #tpu.memory_space<vmem_shared>>
      tpu.wait_dma2 semaphore(%run_scoped3A : memref<!tpu.dma_semaphore, #tpu.memory_space<semaphore_mem>>) src(%arg8 : memref<64x128xf32, #tpu.memory_space<vmem>>) dst(%dma_wait3A_40 : memref<64x128xf32, #tpu.memory_space<vmem_shared>>)
      tpu.yield
    }) : () -> ()
    %add3A_18 = arith.constant 320 : i32
    %add3A_19 = arith.addi %mul3A_7, %add3A_18 : i32
    "tpu.region"() ({
      %run_scoped3A = tpu.sem_alloc : memref<!tpu.dma_semaphore, #tpu.memory_space<semaphore_mem>>
      %dma_start3A = arith.constant 0 : i32
      %dma_start3A_35 = tpu.memref_slice %arg12[%add3A_19, %dma_start3A] : memref<10112x128xf32, #tpu.memory_space<vmem_shared>> -> memref<64x128xf32, #tpu.memory_space<vmem_shared>>
      %dma_start3A_36 = arith.constant 0 : i32
      %dma_start3A_37 = tpu.memref_slice %arg12[%add3A_19, %dma_start3A_36] : memref<10112x128xf32, #tpu.memory_space<vmem_shared>> -> memref<64x128xf32, #tpu.memory_space<vmem_shared>>
      tpu.enqueue_dma source(%arg8 : memref<64x128xf32, #tpu.memory_space<vmem>>) target(%dma_start3A_37 : memref<64x128xf32, #tpu.memory_space<vmem_shared>>) target_semaphore(%run_scoped3A : memref<!tpu.dma_semaphore, #tpu.memory_space<semaphore_mem>>)
      %dma_wait3A = arith.constant 0 : i32
      %dma_wait3A_38 = tpu.memref_slice %arg12[%add3A_19, %dma_wait3A] : memref<10112x128xf32, #tpu.memory_space<vmem_shared>> -> memref<64x128xf32, #tpu.memory_space<vmem_shared>>
      %dma_wait3A_39 = arith.constant 0 : i32
      %dma_wait3A_40 = tpu.memref_slice %arg12[%add3A_19, %dma_wait3A_39] : memref<10112x128xf32, #tpu.memory_space<vmem_shared>> -> memref<64x128xf32, #tpu.memory_space<vmem_shared>>
      tpu.wait_dma2 semaphore(%run_scoped3A : memref<!tpu.dma_semaphore, #tpu.memory_space<semaphore_mem>>) src(%arg8 : memref<64x128xf32, #tpu.memory_space<vmem>>) dst(%dma_wait3A_40 : memref<64x128xf32, #tpu.memory_space<vmem_shared>>)
      tpu.yield
    }) : () -> ()
    %add3A_20 = arith.constant 384 : i32
    %add3A_21 = arith.addi %mul3A_7, %add3A_20 : i32
    "tpu.region"() ({
      %run_scoped3A = tpu.sem_alloc : memref<!tpu.dma_semaphore, #tpu.memory_space<semaphore_mem>>
      %dma_start3A = arith.constant 0 : i32
      %dma_start3A_35 = tpu.memref_slice %arg12[%add3A_21, %dma_start3A] : memref<10112x128xf32, #tpu.memory_space<vmem_shared>> -> memref<64x128xf32, #tpu.memory_space<vmem_shared>>
      %dma_start3A_36 = arith.constant 0 : i32
      %dma_start3A_37 = tpu.memref_slice %arg12[%add3A_21, %dma_start3A_36] : memref<10112x128xf32, #tpu.memory_space<vmem_shared>> -> memref<64x128xf32, #tpu.memory_space<vmem_shared>>
      tpu.enqueue_dma source(%arg8 : memref<64x128xf32, #tpu.memory_space<vmem>>) target(%dma_start3A_37 : memref<64x128xf32, #tpu.memory_space<vmem_shared>>) target_semaphore(%run_scoped3A : memref<!tpu.dma_semaphore, #tpu.memory_space<semaphore_mem>>)
      %dma_wait3A = arith.constant 0 : i32
      %dma_wait3A_38 = tpu.memref_slice %arg12[%add3A_21, %dma_wait3A] : memref<10112x128xf32, #tpu.memory_space<vmem_shared>> -> memref<64x128xf32, #tpu.memory_space<vmem_shared>>
      %dma_wait3A_39 = arith.constant 0 : i32
      %dma_wait3A_40 = tpu.memref_slice %arg12[%add3A_21, %dma_wait3A_39] : memref<10112x128xf32, #tpu.memory_space<vmem_shared>> -> memref<64x128xf32, #tpu.memory_space<vmem_shared>>
      tpu.wait_dma2 semaphore(%run_scoped3A : memref<!tpu.dma_semaphore, #tpu.memory_space<semaphore_mem>>) src(%arg8 : memref<64x128xf32, #tpu.memory_space<vmem>>) dst(%dma_wait3A_40 : memref<64x128xf32, #tpu.memory_space<vmem_shared>>)
      tpu.yield
    }) : () -> ()
    %add3A_22 = arith.constant 448 : i32
    %add3A_23 = arith.addi %mul3A_7, %add3A_22 : i32
    "tpu.region"() ({
      %run_scoped3A = tpu.sem_alloc : memref<!tpu.dma_semaphore, #tpu.memory_space<semaphore_mem>>
      %dma_start3A = arith.constant 0 : i32
      %dma_start3A_35 = tpu.memref_slice %arg12[%add3A_23, %dma_start3A] : memref<10112x128xf32, #tpu.memory_space<vmem_shared>> -> memref<64x128xf32, #tpu.memory_space<vmem_shared>>
      %dma_start3A_36 = arith.constant 0 : i32
      %dma_start3A_37 = tpu.memref_slice %arg12[%add3A_23, %dma_start3A_36] : memref<10112x128xf32, #tpu.memory_space<vmem_shared>> -> memref<64x128xf32, #tpu.memory_space<vmem_shared>>
      tpu.enqueue_dma source(%arg8 : memref<64x128xf32, #tpu.memory_space<vmem>>) target(%dma_start3A_37 : memref<64x128xf32, #tpu.memory_space<vmem_shared>>) target_semaphore(%run_scoped3A : memref<!tpu.dma_semaphore, #tpu.memory_space<semaphore_mem>>)
      %dma_wait3A = arith.constant 0 : i32
      %dma_wait3A_38 = tpu.memref_slice %arg12[%add3A_23, %dma_wait3A] : memref<10112x128xf32, #tpu.memory_space<vmem_shared>> -> memref<64x128xf32, #tpu.memory_space<vmem_shared>>
      %dma_wait3A_39 = arith.constant 0 : i32
      %dma_wait3A_40 = tpu.memref_slice %arg12[%add3A_23, %dma_wait3A_39] : memref<10112x128xf32, #tpu.memory_space<vmem_shared>> -> memref<64x128xf32, #tpu.memory_space<vmem_shared>>
      tpu.wait_dma2 semaphore(%run_scoped3A : memref<!tpu.dma_semaphore, #tpu.memory_space<semaphore_mem>>) src(%arg8 : memref<64x128xf32, #tpu.memory_space<vmem>>) dst(%dma_wait3A_40 : memref<64x128xf32, #tpu.memory_space<vmem_shared>>)
      tpu.yield
    }) : () -> ()
    %add3A_24 = arith.constant 512 : i32
    %add3A_25 = arith.addi %mul3A_7, %add3A_24 : i32
    "tpu.region"() ({
      %run_scoped3A = tpu.sem_alloc : memref<!tpu.dma_semaphore, #tpu.memory_space<semaphore_mem>>
      %dma_start3A = arith.constant 0 : i32
      %dma_start3A_35 = tpu.memref_slice %arg12[%add3A_25, %dma_start3A] : memref<10112x128xf32, #tpu.memory_space<vmem_shared>> -> memref<64x128xf32, #tpu.memory_space<vmem_shared>>
      %dma_start3A_36 = arith.constant 0 : i32
      %dma_start3A_37 = tpu.memref_slice %arg12[%add3A_25, %dma_start3A_36] : memref<10112x128xf32, #tpu.memory_space<vmem_shared>> -> memref<64x128xf32, #tpu.memory_space<vmem_shared>>
      tpu.enqueue_dma source(%arg8 : memref<64x128xf32, #tpu.memory_space<vmem>>) target(%dma_start3A_37 : memref<64x128xf32, #tpu.memory_space<vmem_shared>>) target_semaphore(%run_scoped3A : memref<!tpu.dma_semaphore, #tpu.memory_space<semaphore_mem>>)
      %dma_wait3A = arith.constant 0 : i32
      %dma_wait3A_38 = tpu.memref_slice %arg12[%add3A_25, %dma_wait3A] : memref<10112x128xf32, #tpu.memory_space<vmem_shared>> -> memref<64x128xf32, #tpu.memory_space<vmem_shared>>
      %dma_wait3A_39 = arith.constant 0 : i32
      %dma_wait3A_40 = tpu.memref_slice %arg12[%add3A_25, %dma_wait3A_39] : memref<10112x128xf32, #tpu.memory_space<vmem_shared>> -> memref<64x128xf32, #tpu.memory_space<vmem_shared>>
      tpu.wait_dma2 semaphore(%run_scoped3A : memref<!tpu.dma_semaphore, #tpu.memory_space<semaphore_mem>>) src(%arg8 : memref<64x128xf32, #tpu.memory_space<vmem>>) dst(%dma_wait3A_40 : memref<64x128xf32, #tpu.memory_space<vmem_shared>>)
      tpu.yield
    }) : () -> ()
    %add3A_26 = arith.constant 576 : i32
    %add3A_27 = arith.addi %mul3A_7, %add3A_26 : i32
    "tpu.region"() ({
      %run_scoped3A = tpu.sem_alloc : memref<!tpu.dma_semaphore, #tpu.memory_space<semaphore_mem>>
      %dma_start3A = arith.constant 0 : i32
      %dma_start3A_35 = arith.constant 0 : i32
      %dma_start3A_36 = tpu.memref_slice %arg8[%dma_start3A, %dma_start3A_35] : memref<64x128xf32, #tpu.memory_space<vmem>> -> memref<56x128xf32, #tpu.memory_space<vmem>>
      %dma_start3A_37 = arith.constant 0 : i32
      %dma_start3A_38 = tpu.memref_slice %arg12[%add3A_27, %dma_start3A_37] : memref<10112x128xf32, #tpu.memory_space<vmem_shared>> -> memref<56x128xf32, #tpu.memory_space<vmem_shared>>
      %dma_start3A_39 = arith.constant 0 : i32
      %dma_start3A_40 = tpu.memref_slice %arg12[%add3A_27, %dma_start3A_39] : memref<10112x128xf32, #tpu.memory_space<vmem_shared>> -> memref<56x128xf32, #tpu.memory_space<vmem_shared>>
      %dma_start3A_41 = arith.constant 0 : i32
      %dma_start3A_42 = arith.constant 0 : i32
      %dma_start3A_43 = tpu.memref_slice %arg8[%dma_start3A_41, %dma_start3A_42] : memref<64x128xf32, #tpu.memory_space<vmem>> -> memref<56x128xf32, #tpu.memory_space<vmem>>
      tpu.enqueue_dma source(%dma_start3A_43 : memref<56x128xf32, #tpu.memory_space<vmem>>) target(%dma_start3A_40 : memref<56x128xf32, #tpu.memory_space<vmem_shared>>) target_semaphore(%run_scoped3A : memref<!tpu.dma_semaphore, #tpu.memory_space<semaphore_mem>>)
      %dma_wait3A = arith.constant 0 : i32
      %dma_wait3A_44 = arith.constant 0 : i32
      %dma_wait3A_45 = tpu.memref_slice %arg8[%dma_wait3A, %dma_wait3A_44] : memref<64x128xf32, #tpu.memory_space<vmem>> -> memref<56x128xf32, #tpu.memory_space<vmem>>
      %dma_wait3A_46 = arith.constant 0 : i32
      %dma_wait3A_47 = tpu.memref_slice %arg12[%add3A_27, %dma_wait3A_46] : memref<10112x128xf32, #tpu.memory_space<vmem_shared>> -> memref<56x128xf32, #tpu.memory_space<vmem_shared>>
      %dma_wait3A_48 = arith.constant 0 : i32
      %dma_wait3A_49 = tpu.memref_slice %arg12[%add3A_27, %dma_wait3A_48] : memref<10112x128xf32, #tpu.memory_space<vmem_shared>> -> memref<56x128xf32, #tpu.memory_space<vmem_shared>>
      %dma_wait3A_50 = arith.constant 0 : i32
      %dma_wait3A_51 = arith.constant 0 : i32
      %dma_wait3A_52 = tpu.memref_slice %arg8[%dma_wait3A_50, %dma_wait3A_51] : memref<64x128xf32, #tpu.memory_space<vmem>> -> memref<56x128xf32, #tpu.memory_space<vmem>>
      tpu.wait_dma2 semaphore(%run_scoped3A : memref<!tpu.dma_semaphore, #tpu.memory_space<semaphore_mem>>) src(%dma_wait3A_52 : memref<56x128xf32, #tpu.memory_space<vmem>>) dst(%dma_wait3A_49 : memref<56x128xf32, #tpu.memory_space<vmem_shared>>)
      tpu.yield
    }) : () -> ()
    %barrier3A = arith.constant 0 : index
    tpu.barrier barrier_id(%barrier3A)
    %scan3A_28 = arith.constant 0 : i32
    %scan3A_29 = arith.constant 0 : i32
    %scan3A_30 = arith.constant 5 : i32
    %scan3A_31 = arith.addi %scan3A_29, %scan3A_30 : i32
    %scan3A_32 = arith.constant 1 : i32
    scf.for %scan3A_35 = %scan3A_29 to %scan3A_31 step %scan3A_32  : i32 {
      %mul3A_36 = arith.constant 16 : i32
      %mul3A_37 = arith.muli %scan3A_35, %mul3A_36 : i32
      "tpu.region"() ({
        %run_scoped3A = tpu.sem_alloc : memref<!tpu.dma_semaphore, #tpu.memory_space<semaphore_mem>>
        %dma_start3A_73 = arith.constant 0 : i32
        %dma_start3A_74 = tpu.memref_slice %arg3[%add3A, %mul3A_37, %dma_start3A_73] : memref<32x80x128xi32, #tpu.memory_space<hbm>> -> memref<1x16x128xi32, #tpu.memory_space<hbm>>
        %dma_start3A_75 = tpu.memref_squeeze %dma_start3A_74 : memref<1x16x128xi32, #tpu.memory_space<hbm>> -> memref<16x128xi32, #tpu.memory_space<hbm>>
        %dma_start3A_76 = arith.constant 0 : i32
        %dma_start3A_77 = tpu.memref_slice %arg3[%add3A, %mul3A_37, %dma_start3A_76] : memref<32x80x128xi32, #tpu.memory_space<hbm>> -> memref<1x16x128xi32, #tpu.memory_space<hbm>>
        %dma_start3A_78 = tpu.memref_squeeze %dma_start3A_77 : memref<1x16x128xi32, #tpu.memory_space<hbm>> -> memref<16x128xi32, #tpu.memory_space<hbm>>
        tpu.enqueue_dma source(%dma_start3A_78 : memref<16x128xi32, #tpu.memory_space<hbm>>) target(%arg6 : memref<16x128xi32, #tpu.memory_space<vmem>>) target_semaphore(%run_scoped3A : memref<!tpu.dma_semaphore, #tpu.memory_space<semaphore_mem>>)
        %dma_wait3A = arith.constant 0 : i32
        %dma_wait3A_79 = tpu.memref_slice %arg3[%add3A, %mul3A_37, %dma_wait3A] : memref<32x80x128xi32, #tpu.memory_space<hbm>> -> memref<1x16x128xi32, #tpu.memory_space<hbm>>
        %dma_wait3A_80 = tpu.memref_squeeze %dma_wait3A_79 : memref<1x16x128xi32, #tpu.memory_space<hbm>> -> memref<16x128xi32, #tpu.memory_space<hbm>>
        %dma_wait3A_81 = arith.constant 0 : i32
        %dma_wait3A_82 = tpu.memref_slice %arg3[%add3A, %mul3A_37, %dma_wait3A_81] : memref<32x80x128xi32, #tpu.memory_space<hbm>> -> memref<1x16x128xi32, #tpu.memory_space<hbm>>
        %dma_wait3A_83 = tpu.memref_squeeze %dma_wait3A_82 : memref<1x16x128xi32, #tpu.memory_space<hbm>> -> memref<16x128xi32, #tpu.memory_space<hbm>>
        tpu.wait_dma2 semaphore(%run_scoped3A : memref<!tpu.dma_semaphore, #tpu.memory_space<semaphore_mem>>) src(%dma_wait3A_83 : memref<16x128xi32, #tpu.memory_space<hbm>>) dst(%arg6 : memref<16x128xi32, #tpu.memory_space<vmem>>)
        tpu.yield
      }) : () -> ()
      %mul3A_38 = arith.constant 16 : i32
      %mul3A_39 = arith.muli %scan3A_35, %mul3A_38 : i32
      "tpu.region"() ({
        %run_scoped3A = tpu.sem_alloc : memref<!tpu.dma_semaphore, #tpu.memory_space<semaphore_mem>>
        %dma_start3A_73 = arith.constant 0 : i32
        %dma_start3A_74 = tpu.memref_slice %arg4[%add3A, %mul3A_39, %dma_start3A_73] : memref<32x80x128xi32, #tpu.memory_space<hbm>> -> memref<1x16x128xi32, #tpu.memory_space<hbm>>
        %dma_start3A_75 = tpu.memref_squeeze %dma_start3A_74 : memref<1x16x128xi32, #tpu.memory_space<hbm>> -> memref<16x128xi32, #tpu.memory_space<hbm>>
        %dma_start3A_76 = arith.constant 0 : i32
        %dma_start3A_77 = tpu.memref_slice %arg4[%add3A, %mul3A_39, %dma_start3A_76] : memref<32x80x128xi32, #tpu.memory_space<hbm>> -> memref<1x16x128xi32, #tpu.memory_space<hbm>>
        %dma_start3A_78 = tpu.memref_squeeze %dma_start3A_77 : memref<1x16x128xi32, #tpu.memory_space<hbm>> -> memref<16x128xi32, #tpu.memory_space<hbm>>
        tpu.enqueue_dma source(%dma_start3A_78 : memref<16x128xi32, #tpu.memory_space<hbm>>) target(%arg7 : memref<16x128xi32, #tpu.memory_space<vmem>>) target_semaphore(%run_scoped3A : memref<!tpu.dma_semaphore, #tpu.memory_space<semaphore_mem>>)
        %dma_wait3A = arith.constant 0 : i32
        %dma_wait3A_79 = tpu.memref_slice %arg4[%add3A, %mul3A_39, %dma_wait3A] : memref<32x80x128xi32, #tpu.memory_space<hbm>> -> memref<1x16x128xi32, #tpu.memory_space<hbm>>
        %dma_wait3A_80 = tpu.memref_squeeze %dma_wait3A_79 : memref<1x16x128xi32, #tpu.memory_space<hbm>> -> memref<16x128xi32, #tpu.memory_space<hbm>>
        %dma_wait3A_81 = arith.constant 0 : i32
        %dma_wait3A_82 = tpu.memref_slice %arg4[%add3A, %mul3A_39, %dma_wait3A_81] : memref<32x80x128xi32, #tpu.memory_space<hbm>> -> memref<1x16x128xi32, #tpu.memory_space<hbm>>
        %dma_wait3A_83 = tpu.memref_squeeze %dma_wait3A_82 : memref<1x16x128xi32, #tpu.memory_space<hbm>> -> memref<16x128xi32, #tpu.memory_space<hbm>>
        tpu.wait_dma2 semaphore(%run_scoped3A : memref<!tpu.dma_semaphore, #tpu.memory_space<semaphore_mem>>) src(%dma_wait3A_83 : memref<16x128xi32, #tpu.memory_space<hbm>>) dst(%arg7 : memref<16x128xi32, #tpu.memory_space<vmem>>)
        tpu.yield
      }) : () -> ()
      %dma_start3A = arith.constant 0 : i32
      %dma_start3A_40 = arith.constant 0 : i32
      %dma_start3A_41 = tpu.memref_slice %arg6[%dma_start3A, %dma_start3A_40] : memref<16x128xi32, #tpu.memory_space<vmem>> -> memref<1x64xi32, #tpu.memory_space<vmem>>
      %dma_start3A_42 = tpu.memref_squeeze %dma_start3A_41 : memref<1x64xi32, #tpu.memory_space<vmem>> -> memref<64xi32, #tpu.memory_space<vmem>>
      %dma_start3A_43 = arith.constant 0 : i32
      %dma_start3A_44 = arith.constant 0 : i32
      %dma_start3A_45 = tpu.memref_slice %arg2[%dma_start3A_43, %dma_start3A_44] : memref<10000x128xf32, #tpu.memory_space<hbm>> -> memref<10000x128xf32, #tpu.memory_space<hbm>>
      tpu.enqueue_indirect_dma source(%dma_start3A_45 : memref<10000x128xf32, #tpu.memory_space<hbm>>) target(%arg8 : memref<64x128xf32, #tpu.memory_space<vmem>>) offsets(%dma_start3A_42 : memref<64xi32, #tpu.memory_space<vmem>>) semaphore(%arg13 : memref<!tpu.dma_semaphore, #tpu.memory_space<semaphore_mem>>)
      %dma_start3A_46 = arith.constant 0 : i32
      %dma_start3A_47 = arith.constant 64 : i32
      %dma_start3A_48 = tpu.memref_slice %arg6[%dma_start3A_46, %dma_start3A_47] : memref<16x128xi32, #tpu.memory_space<vmem>> -> memref<1x64xi32, #tpu.memory_space<vmem>>
      %dma_start3A_49 = tpu.memref_squeeze %dma_start3A_48 : memref<1x64xi32, #tpu.memory_space<vmem>> -> memref<64xi32, #tpu.memory_space<vmem>>
      %dma_start3A_50 = arith.constant 0 : i32
      %dma_start3A_51 = arith.constant 0 : i32
      %dma_start3A_52 = tpu.memref_slice %arg2[%dma_start3A_50, %dma_start3A_51] : memref<10000x128xf32, #tpu.memory_space<hbm>> -> memref<10000x128xf32, #tpu.memory_space<hbm>>
      tpu.enqueue_indirect_dma source(%dma_start3A_52 : memref<10000x128xf32, #tpu.memory_space<hbm>>) target(%arg9 : memref<64x128xf32, #tpu.memory_space<vmem>>) offsets(%dma_start3A_49 : memref<64xi32, #tpu.memory_space<vmem>>) semaphore(%arg14 : memref<!tpu.dma_semaphore, #tpu.memory_space<semaphore_mem>>)
      %dma_start3A_53 = arith.constant 1 : i32
      %dma_start3A_54 = arith.constant 0 : i32
      %dma_start3A_55 = tpu.memref_slice %arg6[%dma_start3A_53, %dma_start3A_54] : memref<16x128xi32, #tpu.memory_space<vmem>> -> memref<1x64xi32, #tpu.memory_space<vmem>>
      %dma_start3A_56 = tpu.memref_squeeze %dma_start3A_55 : memref<1x64xi32, #tpu.memory_space<vmem>> -> memref<64xi32, #tpu.memory_space<vmem>>
      %dma_start3A_57 = arith.constant 0 : i32
      %dma_start3A_58 = arith.constant 0 : i32
      %dma_start3A_59 = tpu.memref_slice %arg2[%dma_start3A_57, %dma_start3A_58] : memref<10000x128xf32, #tpu.memory_space<hbm>> -> memref<10000x128xf32, #tpu.memory_space<hbm>>
      tpu.enqueue_indirect_dma source(%dma_start3A_59 : memref<10000x128xf32, #tpu.memory_space<hbm>>) target(%arg10 : memref<64x128xf32, #tpu.memory_space<vmem>>) offsets(%dma_start3A_56 : memref<64xi32, #tpu.memory_space<vmem>>) semaphore(%arg15 : memref<!tpu.dma_semaphore, #tpu.memory_space<semaphore_mem>>)
      %dma_start3A_60 = arith.constant 1 : i32
      %dma_start3A_61 = arith.constant 64 : i32
      %dma_start3A_62 = tpu.memref_slice %arg6[%dma_start3A_60, %dma_start3A_61] : memref<16x128xi32, #tpu.memory_space<vmem>> -> memref<1x64xi32, #tpu.memory_space<vmem>>
      %dma_start3A_63 = tpu.memref_squeeze %dma_start3A_62 : memref<1x64xi32, #tpu.memory_space<vmem>> -> memref<64xi32, #tpu.memory_space<vmem>>
      %dma_start3A_64 = arith.constant 0 : i32
      %dma_start3A_65 = arith.constant 0 : i32
      %dma_start3A_66 = tpu.memref_slice %arg2[%dma_start3A_64, %dma_start3A_65] : memref<10000x128xf32, #tpu.memory_space<hbm>> -> memref<10000x128xf32, #tpu.memory_space<hbm>>
      tpu.enqueue_indirect_dma source(%dma_start3A_66 : memref<10000x128xf32, #tpu.memory_space<hbm>>) target(%arg11 : memref<64x128xf32, #tpu.memory_space<vmem>>) offsets(%dma_start3A_63 : memref<64xi32, #tpu.memory_space<vmem>>) semaphore(%arg16 : memref<!tpu.dma_semaphore, #tpu.memory_space<semaphore_mem>>)
      %scan3A_67 = arith.constant 0 : i32
      %scan3A_68 = arith.constant 0 : i32
      %scan3A_69 = arith.constant 8 : i32
      %scan3A_70 = arith.addi %scan3A_68, %scan3A_69 : i32
      %scan3A_71 = arith.constant 1 : i32
      scf.for %scan3A_73 = %scan3A_68 to %scan3A_70 step %scan3A_71  : i32 {
        %mul3A_74 = arith.constant 2 : i32
        %mul3A_75 = arith.muli %mul3A_74, %scan3A_73 : i32
        %add3A_76 = arith.constant 0 : i32
        %add3A_77 = arith.addi %mul3A_75, %add3A_76 : i32
        %dma_wait3A = arith.constant 0 : i32
        %dma_wait3A_78 = tpu.memref_slice %arg6[%add3A_77, %dma_wait3A] : memref<16x128xi32, #tpu.memory_space<vmem>> -> memref<1x64xi32, #tpu.memory_space<vmem>>
        %dma_wait3A_79 = tpu.memref_squeeze %dma_wait3A_78 : memref<1x64xi32, #tpu.memory_space<vmem>> -> memref<64xi32, #tpu.memory_space<vmem>>
        %dma_wait3A_80 = arith.constant 0 : i32
        %dma_wait3A_81 = arith.constant 0 : i32
        %dma_wait3A_82 = tpu.memref_slice %arg2[%dma_wait3A_80, %dma_wait3A_81] : memref<10000x128xf32, #tpu.memory_space<hbm>> -> memref<10000x128xf32, #tpu.memory_space<hbm>>
        tpu.wait_indirect_dma semaphore(%arg13 : memref<!tpu.dma_semaphore, #tpu.memory_space<semaphore_mem>>) src(%dma_wait3A_82 : memref<10000x128xf32, #tpu.memory_space<hbm>>) dst(%arg8 : memref<64x128xf32, #tpu.memory_space<vmem>>)
        %mul3A_83 = arith.constant 2 : i32
        %mul3A_84 = arith.muli %mul3A_83, %scan3A_73 : i32
        %add3A_85 = arith.constant 0 : i32
        %add3A_86 = arith.addi %mul3A_84, %add3A_85 : i32
        "tpu.region"() ({
          %run_scoped3A = tpu.sem_alloc : memref<!tpu.dma_semaphore, #tpu.memory_space<semaphore_mem>>
          %dma_start3A_154 = arith.constant 0 : i32
          %dma_start3A_155 = tpu.memref_slice %arg7[%add3A_86, %dma_start3A_154] : memref<16x128xi32, #tpu.memory_space<vmem>> -> memref<1x64xi32, #tpu.memory_space<vmem>>
          %dma_start3A_156 = tpu.memref_squeeze %dma_start3A_155 : memref<1x64xi32, #tpu.memory_space<vmem>> -> memref<64xi32, #tpu.memory_space<vmem>>
          %dma_start3A_157 = arith.constant 0 : i32
          %dma_start3A_158 = arith.constant 0 : i32
          %dma_start3A_159 = tpu.memref_slice %arg12[%dma_start3A_157, %dma_start3A_158] : memref<10112x128xf32, #tpu.memory_space<vmem_shared>> -> memref<10112x128xf32, #tpu.memory_space<vmem_shared>>
          tpu.enqueue_indirect_dma source(%arg8 : memref<64x128xf32, #tpu.memory_space<vmem>>) target(%dma_start3A_159 : memref<10112x128xf32, #tpu.memory_space<vmem_shared>>) offsets(%dma_start3A_156 : memref<64xi32, #tpu.memory_space<vmem>>) semaphore(%run_scoped3A : memref<!tpu.dma_semaphore, #tpu.memory_space<semaphore_mem>>) {add = true}
          %dma_wait3A_160 = arith.constant 0 : i32
          %dma_wait3A_161 = tpu.memref_slice %arg7[%add3A_86, %dma_wait3A_160] : memref<16x128xi32, #tpu.memory_space<vmem>> -> memref<1x64xi32, #tpu.memory_space<vmem>>
          %dma_wait3A_162 = tpu.memref_squeeze %dma_wait3A_161 : memref<1x64xi32, #tpu.memory_space<vmem>> -> memref<64xi32, #tpu.memory_space<vmem>>
          %dma_wait3A_163 = arith.constant 0 : i32
          %dma_wait3A_164 = arith.constant 0 : i32
          %dma_wait3A_165 = tpu.memref_slice %arg12[%dma_wait3A_163, %dma_wait3A_164] : memref<10112x128xf32, #tpu.memory_space<vmem_shared>> -> memref<10112x128xf32, #tpu.memory_space<vmem_shared>>
          tpu.wait_indirect_dma semaphore(%run_scoped3A : memref<!tpu.dma_semaphore, #tpu.memory_space<semaphore_mem>>) src(%arg8 : memref<64x128xf32, #tpu.memory_space<vmem>>) dst(%dma_wait3A_165 : memref<10112x128xf32, #tpu.memory_space<vmem_shared>>)
          tpu.yield
        }) : () -> ()
        %add3A_87 = arith.constant 1 : i32
        %add3A_88 = arith.addi %scan3A_73, %add3A_87 : i32
        %lt3A = arith.constant 8 : i32
        %lt3A_89 = arith.cmpi slt, %add3A_88, %lt3A : i32
        %convert_element_type3A = arith.extui %lt3A_89 : i1 to i32
        %cond3A = arith.constant 0 : i32
        %cond3A_90 = arith.cmpi ne, %convert_element_type3A, %cond3A : i32
        scf.if %cond3A_90 {
          %add3A_154 = arith.constant 1 : i32
          %add3A_155 = arith.addi %scan3A_73, %add3A_154 : i32
          %mul3A_156 = arith.constant 2 : i32
          %mul3A_157 = arith.muli %mul3A_156, %add3A_155 : i32
          %add3A_158 = arith.constant 0 : i32
          %add3A_159 = arith.addi %mul3A_157, %add3A_158 : i32
          %dma_start3A_160 = arith.constant 0 : i32
          %dma_start3A_161 = tpu.memref_slice %arg6[%add3A_159, %dma_start3A_160] : memref<16x128xi32, #tpu.memory_space<vmem>> -> memref<1x64xi32, #tpu.memory_space<vmem>>
          %dma_start3A_162 = tpu.memref_squeeze %dma_start3A_161 : memref<1x64xi32, #tpu.memory_space<vmem>> -> memref<64xi32, #tpu.memory_space<vmem>>
          %dma_start3A_163 = arith.constant 0 : i32
          %dma_start3A_164 = arith.constant 0 : i32
          %dma_start3A_165 = tpu.memref_slice %arg2[%dma_start3A_163, %dma_start3A_164] : memref<10000x128xf32, #tpu.memory_space<hbm>> -> memref<10000x128xf32, #tpu.memory_space<hbm>>
          tpu.enqueue_indirect_dma source(%dma_start3A_165 : memref<10000x128xf32, #tpu.memory_space<hbm>>) target(%arg8 : memref<64x128xf32, #tpu.memory_space<vmem>>) offsets(%dma_start3A_162 : memref<64xi32, #tpu.memory_space<vmem>>) semaphore(%arg13 : memref<!tpu.dma_semaphore, #tpu.memory_space<semaphore_mem>>)
        } else {
        }
        %mul3A_91 = arith.constant 2 : i32
        %mul3A_92 = arith.muli %mul3A_91, %scan3A_73 : i32
        %add3A_93 = arith.constant 0 : i32
        %add3A_94 = arith.addi %mul3A_92, %add3A_93 : i32
        %dma_wait3A_95 = arith.constant 64 : i32
        %dma_wait3A_96 = tpu.memref_slice %arg6[%add3A_94, %dma_wait3A_95] : memref<16x128xi32, #tpu.memory_space<vmem>> -> memref<1x64xi32, #tpu.memory_space<vmem>>
        %dma_wait3A_97 = tpu.memref_squeeze %dma_wait3A_96 : memref<1x64xi32, #tpu.memory_space<vmem>> -> memref<64xi32, #tpu.memory_space<vmem>>
        %dma_wait3A_98 = arith.constant 0 : i32
        %dma_wait3A_99 = arith.constant 0 : i32
        %dma_wait3A_100 = tpu.memref_slice %arg2[%dma_wait3A_98, %dma_wait3A_99] : memref<10000x128xf32, #tpu.memory_space<hbm>> -> memref<10000x128xf32, #tpu.memory_space<hbm>>
        tpu.wait_indirect_dma semaphore(%arg14 : memref<!tpu.dma_semaphore, #tpu.memory_space<semaphore_mem>>) src(%dma_wait3A_100 : memref<10000x128xf32, #tpu.memory_space<hbm>>) dst(%arg9 : memref<64x128xf32, #tpu.memory_space<vmem>>)
        %mul3A_101 = arith.constant 2 : i32
        %mul3A_102 = arith.muli %mul3A_101, %scan3A_73 : i32
        %add3A_103 = arith.constant 0 : i32
        %add3A_104 = arith.addi %mul3A_102, %add3A_103 : i32
        "tpu.region"() ({
          %run_scoped3A = tpu.sem_alloc : memref<!tpu.dma_semaphore, #tpu.memory_space<semaphore_mem>>
          %dma_start3A_154 = arith.constant 64 : i32
          %dma_start3A_155 = tpu.memref_slice %arg7[%add3A_104, %dma_start3A_154] : memref<16x128xi32, #tpu.memory_space<vmem>> -> memref<1x64xi32, #tpu.memory_space<vmem>>
          %dma_start3A_156 = tpu.memref_squeeze %dma_start3A_155 : memref<1x64xi32, #tpu.memory_space<vmem>> -> memref<64xi32, #tpu.memory_space<vmem>>
          %dma_start3A_157 = arith.constant 0 : i32
          %dma_start3A_158 = arith.constant 0 : i32
          %dma_start3A_159 = tpu.memref_slice %arg12[%dma_start3A_157, %dma_start3A_158] : memref<10112x128xf32, #tpu.memory_space<vmem_shared>> -> memref<10112x128xf32, #tpu.memory_space<vmem_shared>>
          tpu.enqueue_indirect_dma source(%arg9 : memref<64x128xf32, #tpu.memory_space<vmem>>) target(%dma_start3A_159 : memref<10112x128xf32, #tpu.memory_space<vmem_shared>>) offsets(%dma_start3A_156 : memref<64xi32, #tpu.memory_space<vmem>>) semaphore(%run_scoped3A : memref<!tpu.dma_semaphore, #tpu.memory_space<semaphore_mem>>) {add = true}
          %dma_wait3A_160 = arith.constant 64 : i32
          %dma_wait3A_161 = tpu.memref_slice %arg7[%add3A_104, %dma_wait3A_160] : memref<16x128xi32, #tpu.memory_space<vmem>> -> memref<1x64xi32, #tpu.memory_space<vmem>>
          %dma_wait3A_162 = tpu.memref_squeeze %dma_wait3A_161 : memref<1x64xi32, #tpu.memory_space<vmem>> -> memref<64xi32, #tpu.memory_space<vmem>>
          %dma_wait3A_163 = arith.constant 0 : i32
          %dma_wait3A_164 = arith.constant 0 : i32
          %dma_wait3A_165 = tpu.memref_slice %arg12[%dma_wait3A_163, %dma_wait3A_164] : memref<10112x128xf32, #tpu.memory_space<vmem_shared>> -> memref<10112x128xf32, #tpu.memory_space<vmem_shared>>
          tpu.wait_indirect_dma semaphore(%run_scoped3A : memref<!tpu.dma_semaphore, #tpu.memory_space<semaphore_mem>>) src(%arg9 : memref<64x128xf32, #tpu.memory_space<vmem>>) dst(%dma_wait3A_165 : memref<10112x128xf32, #tpu.memory_space<vmem_shared>>)
          tpu.yield
        }) : () -> ()
        %add3A_105 = arith.constant 1 : i32
        %add3A_106 = arith.addi %scan3A_73, %add3A_105 : i32
        %lt3A_107 = arith.constant 8 : i32
        %lt3A_108 = arith.cmpi slt, %add3A_106, %lt3A_107 : i32
        %convert_element_type3A_109 = arith.extui %lt3A_108 : i1 to i32
        %cond3A_110 = arith.constant 0 : i32
        %cond3A_111 = arith.cmpi ne, %convert_element_type3A_109, %cond3A_110 : i32
        scf.if %cond3A_111 {
          %add3A_154 = arith.constant 1 : i32
          %add3A_155 = arith.addi %scan3A_73, %add3A_154 : i32
          %mul3A_156 = arith.constant 2 : i32
          %mul3A_157 = arith.muli %mul3A_156, %add3A_155 : i32
          %add3A_158 = arith.constant 0 : i32
          %add3A_159 = arith.addi %mul3A_157, %add3A_158 : i32
          %dma_start3A_160 = arith.constant 64 : i32
          %dma_start3A_161 = tpu.memref_slice %arg6[%add3A_159, %dma_start3A_160] : memref<16x128xi32, #tpu.memory_space<vmem>> -> memref<1x64xi32, #tpu.memory_space<vmem>>
          %dma_start3A_162 = tpu.memref_squeeze %dma_start3A_161 : memref<1x64xi32, #tpu.memory_space<vmem>> -> memref<64xi32, #tpu.memory_space<vmem>>
          %dma_start3A_163 = arith.constant 0 : i32
          %dma_start3A_164 = arith.constant 0 : i32
          %dma_start3A_165 = tpu.memref_slice %arg2[%dma_start3A_163, %dma_start3A_164] : memref<10000x128xf32, #tpu.memory_space<hbm>> -> memref<10000x128xf32, #tpu.memory_space<hbm>>
          tpu.enqueue_indirect_dma source(%dma_start3A_165 : memref<10000x128xf32, #tpu.memory_space<hbm>>) target(%arg9 : memref<64x128xf32, #tpu.memory_space<vmem>>) offsets(%dma_start3A_162 : memref<64xi32, #tpu.memory_space<vmem>>) semaphore(%arg14 : memref<!tpu.dma_semaphore, #tpu.memory_space<semaphore_mem>>)
        } else {
        }
        %mul3A_112 = arith.constant 2 : i32
        %mul3A_113 = arith.muli %mul3A_112, %scan3A_73 : i32
        %add3A_114 = arith.constant 1 : i32
        %add3A_115 = arith.addi %mul3A_113, %add3A_114 : i32
        %dma_wait3A_116 = arith.constant 0 : i32
        %dma_wait3A_117 = tpu.memref_slice %arg6[%add3A_115, %dma_wait3A_116] : memref<16x128xi32, #tpu.memory_space<vmem>> -> memref<1x64xi32, #tpu.memory_space<vmem>>
        %dma_wait3A_118 = tpu.memref_squeeze %dma_wait3A_117 : memref<1x64xi32, #tpu.memory_space<vmem>> -> memref<64xi32, #tpu.memory_space<vmem>>
        %dma_wait3A_119 = arith.constant 0 : i32
        %dma_wait3A_120 = arith.constant 0 : i32
        %dma_wait3A_121 = tpu.memref_slice %arg2[%dma_wait3A_119, %dma_wait3A_120] : memref<10000x128xf32, #tpu.memory_space<hbm>> -> memref<10000x128xf32, #tpu.memory_space<hbm>>
        tpu.wait_indirect_dma semaphore(%arg15 : memref<!tpu.dma_semaphore, #tpu.memory_space<semaphore_mem>>) src(%dma_wait3A_121 : memref<10000x128xf32, #tpu.memory_space<hbm>>) dst(%arg10 : memref<64x128xf32, #tpu.memory_space<vmem>>)
        %mul3A_122 = arith.constant 2 : i32
        %mul3A_123 = arith.muli %mul3A_122, %scan3A_73 : i32
        %add3A_124 = arith.constant 1 : i32
        %add3A_125 = arith.addi %mul3A_123, %add3A_124 : i32
        "tpu.region"() ({
          %run_scoped3A = tpu.sem_alloc : memref<!tpu.dma_semaphore, #tpu.memory_space<semaphore_mem>>
          %dma_start3A_154 = arith.constant 0 : i32
          %dma_start3A_155 = tpu.memref_slice %arg7[%add3A_125, %dma_start3A_154] : memref<16x128xi32, #tpu.memory_space<vmem>> -> memref<1x64xi32, #tpu.memory_space<vmem>>
          %dma_start3A_156 = tpu.memref_squeeze %dma_start3A_155 : memref<1x64xi32, #tpu.memory_space<vmem>> -> memref<64xi32, #tpu.memory_space<vmem>>
          %dma_start3A_157 = arith.constant 0 : i32
          %dma_start3A_158 = arith.constant 0 : i32
          %dma_start3A_159 = tpu.memref_slice %arg12[%dma_start3A_157, %dma_start3A_158] : memref<10112x128xf32, #tpu.memory_space<vmem_shared>> -> memref<10112x128xf32, #tpu.memory_space<vmem_shared>>
          tpu.enqueue_indirect_dma source(%arg10 : memref<64x128xf32, #tpu.memory_space<vmem>>) target(%dma_start3A_159 : memref<10112x128xf32, #tpu.memory_space<vmem_shared>>) offsets(%dma_start3A_156 : memref<64xi32, #tpu.memory_space<vmem>>) semaphore(%run_scoped3A : memref<!tpu.dma_semaphore, #tpu.memory_space<semaphore_mem>>) {add = true}
          %dma_wait3A_160 = arith.constant 0 : i32
          %dma_wait3A_161 = tpu.memref_slice %arg7[%add3A_125, %dma_wait3A_160] : memref<16x128xi32, #tpu.memory_space<vmem>> -> memref<1x64xi32, #tpu.memory_space<vmem>>
          %dma_wait3A_162 = tpu.memref_squeeze %dma_wait3A_161 : memref<1x64xi32, #tpu.memory_space<vmem>> -> memref<64xi32, #tpu.memory_space<vmem>>
          %dma_wait3A_163 = arith.constant 0 : i32
          %dma_wait3A_164 = arith.constant 0 : i32
          %dma_wait3A_165 = tpu.memref_slice %arg12[%dma_wait3A_163, %dma_wait3A_164] : memref<10112x128xf32, #tpu.memory_space<vmem_shared>> -> memref<10112x128xf32, #tpu.memory_space<vmem_shared>>
          tpu.wait_indirect_dma semaphore(%run_scoped3A : memref<!tpu.dma_semaphore, #tpu.memory_space<semaphore_mem>>) src(%arg10 : memref<64x128xf32, #tpu.memory_space<vmem>>) dst(%dma_wait3A_165 : memref<10112x128xf32, #tpu.memory_space<vmem_shared>>)
          tpu.yield
        }) : () -> ()
        %add3A_126 = arith.constant 1 : i32
        %add3A_127 = arith.addi %scan3A_73, %add3A_126 : i32
        %lt3A_128 = arith.constant 8 : i32
        %lt3A_129 = arith.cmpi slt, %add3A_127, %lt3A_128 : i32
        %convert_element_type3A_130 = arith.extui %lt3A_129 : i1 to i32
        %cond3A_131 = arith.constant 0 : i32
        %cond3A_132 = arith.cmpi ne, %convert_element_type3A_130, %cond3A_131 : i32
        scf.if %cond3A_132 {
          %add3A_154 = arith.constant 1 : i32
          %add3A_155 = arith.addi %scan3A_73, %add3A_154 : i32
          %mul3A_156 = arith.constant 2 : i32
          %mul3A_157 = arith.muli %mul3A_156, %add3A_155 : i32
          %add3A_158 = arith.constant 1 : i32
          %add3A_159 = arith.addi %mul3A_157, %add3A_158 : i32
          %dma_start3A_160 = arith.constant 0 : i32
          %dma_start3A_161 = tpu.memref_slice %arg6[%add3A_159, %dma_start3A_160] : memref<16x128xi32, #tpu.memory_space<vmem>> -> memref<1x64xi32, #tpu.memory_space<vmem>>
          %dma_start3A_162 = tpu.memref_squeeze %dma_start3A_161 : memref<1x64xi32, #tpu.memory_space<vmem>> -> memref<64xi32, #tpu.memory_space<vmem>>
          %dma_start3A_163 = arith.constant 0 : i32
          %dma_start3A_164 = arith.constant 0 : i32
          %dma_start3A_165 = tpu.memref_slice %arg2[%dma_start3A_163, %dma_start3A_164] : memref<10000x128xf32, #tpu.memory_space<hbm>> -> memref<10000x128xf32, #tpu.memory_space<hbm>>
          tpu.enqueue_indirect_dma source(%dma_start3A_165 : memref<10000x128xf32, #tpu.memory_space<hbm>>) target(%arg10 : memref<64x128xf32, #tpu.memory_space<vmem>>) offsets(%dma_start3A_162 : memref<64xi32, #tpu.memory_space<vmem>>) semaphore(%arg15 : memref<!tpu.dma_semaphore, #tpu.memory_space<semaphore_mem>>)
        } else {
        }
        %mul3A_133 = arith.constant 2 : i32
        %mul3A_134 = arith.muli %mul3A_133, %scan3A_73 : i32
        %add3A_135 = arith.constant 1 : i32
        %add3A_136 = arith.addi %mul3A_134, %add3A_135 : i32
        %dma_wait3A_137 = arith.constant 64 : i32
        %dma_wait3A_138 = tpu.memref_slice %arg6[%add3A_136, %dma_wait3A_137] : memref<16x128xi32, #tpu.memory_space<vmem>> -> memref<1x64xi32, #tpu.memory_space<vmem>>
        %dma_wait3A_139 = tpu.memref_squeeze %dma_wait3A_138 : memref<1x64xi32, #tpu.memory_space<vmem>> -> memref<64xi32, #tpu.memory_space<vmem>>
        %dma_wait3A_140 = arith.constant 0 : i32
        %dma_wait3A_141 = arith.constant 0 : i32
        %dma_wait3A_142 = tpu.memref_slice %arg2[%dma_wait3A_140, %dma_wait3A_141] : memref<10000x128xf32, #tpu.memory_space<hbm>> -> memref<10000x128xf32, #tpu.memory_space<hbm>>
        tpu.wait_indirect_dma semaphore(%arg16 : memref<!tpu.dma_semaphore, #tpu.memory_space<semaphore_mem>>) src(%dma_wait3A_142 : memref<10000x128xf32, #tpu.memory_space<hbm>>) dst(%arg11 : memref<64x128xf32, #tpu.memory_space<vmem>>)
        %mul3A_143 = arith.constant 2 : i32
        %mul3A_144 = arith.muli %mul3A_143, %scan3A_73 : i32
        %add3A_145 = arith.constant 1 : i32
        %add3A_146 = arith.addi %mul3A_144, %add3A_145 : i32
        "tpu.region"() ({
          %run_scoped3A = tpu.sem_alloc : memref<!tpu.dma_semaphore, #tpu.memory_space<semaphore_mem>>
          %dma_start3A_154 = arith.constant 64 : i32
          %dma_start3A_155 = tpu.memref_slice %arg7[%add3A_146, %dma_start3A_154] : memref<16x128xi32, #tpu.memory_space<vmem>> -> memref<1x64xi32, #tpu.memory_space<vmem>>
          %dma_start3A_156 = tpu.memref_squeeze %dma_start3A_155 : memref<1x64xi32, #tpu.memory_space<vmem>> -> memref<64xi32, #tpu.memory_space<vmem>>
          %dma_start3A_157 = arith.constant 0 : i32
          %dma_start3A_158 = arith.constant 0 : i32
          %dma_start3A_159 = tpu.memref_slice %arg12[%dma_start3A_157, %dma_start3A_158] : memref<10112x128xf32, #tpu.memory_space<vmem_shared>> -> memref<10112x128xf32, #tpu.memory_space<vmem_shared>>
          tpu.enqueue_indirect_dma source(%arg11 : memref<64x128xf32, #tpu.memory_space<vmem>>) target(%dma_start3A_159 : memref<10112x128xf32, #tpu.memory_space<vmem_shared>>) offsets(%dma_start3A_156 : memref<64xi32, #tpu.memory_space<vmem>>) semaphore(%run_scoped3A : memref<!tpu.dma_semaphore, #tpu.memory_space<semaphore_mem>>) {add = true}
          %dma_wait3A_160 = arith.constant 64 : i32
          %dma_wait3A_161 = tpu.memref_slice %arg7[%add3A_146, %dma_wait3A_160] : memref<16x128xi32, #tpu.memory_space<vmem>> -> memref<1x64xi32, #tpu.memory_space<vmem>>
          %dma_wait3A_162 = tpu.memref_squeeze %dma_wait3A_161 : memref<1x64xi32, #tpu.memory_space<vmem>> -> memref<64xi32, #tpu.memory_space<vmem>>
          %dma_wait3A_163 = arith.constant 0 : i32
          %dma_wait3A_164 = arith.constant 0 : i32
          %dma_wait3A_165 = tpu.memref_slice %arg12[%dma_wait3A_163, %dma_wait3A_164] : memref<10112x128xf32, #tpu.memory_space<vmem_shared>> -> memref<10112x128xf32, #tpu.memory_space<vmem_shared>>
          tpu.wait_indirect_dma semaphore(%run_scoped3A : memref<!tpu.dma_semaphore, #tpu.memory_space<semaphore_mem>>) src(%arg11 : memref<64x128xf32, #tpu.memory_space<vmem>>) dst(%dma_wait3A_165 : memref<10112x128xf32, #tpu.memory_space<vmem_shared>>)
          tpu.yield
        }) : () -> ()
        %add3A_147 = arith.constant 1 : i32
        %add3A_148 = arith.addi %scan3A_73, %add3A_147 : i32
        %lt3A_149 = arith.constant 8 : i32
        %lt3A_150 = arith.cmpi slt, %add3A_148, %lt3A_149 : i32
        %convert_element_type3A_151 = arith.extui %lt3A_150 : i1 to i32
        %cond3A_152 = arith.constant 0 : i32
        %cond3A_153 = arith.cmpi ne, %convert_element_type3A_151, %cond3A_152 : i32
        scf.if %cond3A_153 {
          %add3A_154 = arith.constant 1 : i32
          %add3A_155 = arith.addi %scan3A_73, %add3A_154 : i32
          %mul3A_156 = arith.constant 2 : i32
          %mul3A_157 = arith.muli %mul3A_156, %add3A_155 : i32
          %add3A_158 = arith.constant 1 : i32
          %add3A_159 = arith.addi %mul3A_157, %add3A_158 : i32
          %dma_start3A_160 = arith.constant 64 : i32
          %dma_start3A_161 = tpu.memref_slice %arg6[%add3A_159, %dma_start3A_160] : memref<16x128xi32, #tpu.memory_space<vmem>> -> memref<1x64xi32, #tpu.memory_space<vmem>>
          %dma_start3A_162 = tpu.memref_squeeze %dma_start3A_161 : memref<1x64xi32, #tpu.memory_space<vmem>> -> memref<64xi32, #tpu.memory_space<vmem>>
          %dma_start3A_163 = arith.constant 0 : i32
          %dma_start3A_164 = arith.constant 0 : i32
          %dma_start3A_165 = tpu.memref_slice %arg2[%dma_start3A_163, %dma_start3A_164] : memref<10000x128xf32, #tpu.memory_space<hbm>> -> memref<10000x128xf32, #tpu.memory_space<hbm>>
          tpu.enqueue_indirect_dma source(%dma_start3A_165 : memref<10000x128xf32, #tpu.memory_space<hbm>>) target(%arg11 : memref<64x128xf32, #tpu.memory_space<vmem>>) offsets(%dma_start3A_162 : memref<64xi32, #tpu.memory_space<vmem>>) semaphore(%arg16 : memref<!tpu.dma_semaphore, #tpu.memory_space<semaphore_mem>>)
        } else {
        }
      }
      %scan3A_72 = arith.constant 8 : i32
    }
    %scan3A_33 = arith.constant 5 : i32
    %barrier3A_34 = arith.constant 0 : index
    tpu.barrier barrier_id(%barrier3A_34)
    "tpu.region"() ({
      %run_scoped3A = tpu.sem_alloc : memref<!tpu.dma_semaphore, #tpu.memory_space<semaphore_mem>>
      %dma_start3A = arith.constant 0 : i32
      %dma_start3A_35 = tpu.memref_slice %arg5[%arg0, %mul3A_7, %dma_start3A] : memref<2x10112x128xf32, #tpu.memory_space<hbm>> -> memref<1x632x128xf32, #tpu.memory_space<hbm>>
      %dma_start3A_36 = tpu.memref_squeeze %dma_start3A_35 : memref<1x632x128xf32, #tpu.memory_space<hbm>> -> memref<632x128xf32, #tpu.memory_space<hbm>>
      %dma_start3A_37 = arith.constant 0 : i32
      %dma_start3A_38 = tpu.memref_slice %arg12[%mul3A_7, %dma_start3A_37] : memref<10112x128xf32, #tpu.memory_space<vmem_shared>> -> memref<632x128xf32, #tpu.memory_space<vmem_shared>>
      tpu.enqueue_dma source(%dma_start3A_38 : memref<632x128xf32, #tpu.memory_space<vmem_shared>>) target(%dma_start3A_36 : memref<632x128xf32, #tpu.memory_space<hbm>>) target_semaphore(%run_scoped3A : memref<!tpu.dma_semaphore, #tpu.memory_space<semaphore_mem>>)
      %dma_wait3A = arith.constant 0 : i32
      %dma_wait3A_39 = tpu.memref_slice %arg5[%arg0, %mul3A_7, %dma_wait3A] : memref<2x10112x128xf32, #tpu.memory_space<hbm>> -> memref<1x632x128xf32, #tpu.memory_space<hbm>>
      %dma_wait3A_40 = tpu.memref_squeeze %dma_wait3A_39 : memref<1x632x128xf32, #tpu.memory_space<hbm>> -> memref<632x128xf32, #tpu.memory_space<hbm>>
      %dma_wait3A_41 = arith.constant 0 : i32
      %dma_wait3A_42 = tpu.memref_slice %arg12[%mul3A_7, %dma_wait3A_41] : memref<10112x128xf32, #tpu.memory_space<vmem_shared>> -> memref<632x128xf32, #tpu.memory_space<vmem_shared>>
      tpu.wait_dma2 semaphore(%run_scoped3A : memref<!tpu.dma_semaphore, #tpu.memory_space<semaphore_mem>>) src(%dma_wait3A_42 : memref<632x128xf32, #tpu.memory_space<vmem_shared>>) dst(%dma_wait3A_40 : memref<632x128xf32, #tpu.memory_space<hbm>>)
      tpu.yield
    }) : () -> ()
    return
  }
}

module attributes {stable_mosaic.version = 14 : i64} {
  func.func @body(%arg0: i32, %arg1: memref<1000x128xf32, #tpu.memory_space<vmem>>, %arg2: memref<1x1000x128xf32, #tpu.memory_space<vmem>>, %arg3: memref<1x1000x128xf32, #tpu.memory_space<vmem>>, %arg4: memref<128x128xf32, #tpu.memory_space<vmem>>, %arg5: memref<128x128xf32, #tpu.memory_space<vmem>>, %arg6: memref<1x128xf32, #tpu.memory_space<vmem>>, %arg7: memref<128x128xf32, #tpu.memory_space<vmem>>, %arg8: memref<1x128xf32, #tpu.memory_space<vmem>>, %arg9: memref<1000x128xf32, #tpu.memory_space<vmem>>, %arg10: memref<1000x128xf32, #tpu.memory_space<vmem>>) attributes {dimension_semantics = [#tpu.dimension_semantics<arbitrary>], iteration_bounds = array<i64: 10>, scalar_prefetch = 0 : i64, scratch_operands = 0 : i64, tpu.core_type = #tpu.core_type<tc>, window_params = [{transform_indices = @transform_0, window_bounds = array<i64: 1000, 128>}, {transform_indices = @transform_1, window_bounds = array<i64: 1, 1000, 128>}, {transform_indices = @transform_2, window_bounds = array<i64: 1, 1000, 128>}, {pipeline_mode = #tpu.pipeline_mode<synchronous>, transform_indices = @transform_3, window_bounds = array<i64: 128, 128>}, {pipeline_mode = #tpu.pipeline_mode<synchronous>, transform_indices = @transform_4, window_bounds = array<i64: 128, 128>}, {pipeline_mode = #tpu.pipeline_mode<synchronous>, transform_indices = @transform_5, window_bounds = array<i64: 1, 128>}, {pipeline_mode = #tpu.pipeline_mode<synchronous>, transform_indices = @transform_6, window_bounds = array<i64: 128, 128>}, {pipeline_mode = #tpu.pipeline_mode<synchronous>, transform_indices = @transform_7, window_bounds = array<i64: 1, 128>}, {transform_indices = @transform_8, window_bounds = array<i64: 1000, 128>}, {transform_indices = @transform_9, window_bounds = array<i64: 1000, 128>}]} {
    %get3A = arith.constant 0 : index
    %get3A_0 = arith.constant 0 : index
    %get3A_1 = arith.constant 0 : index
    %get3A_2 = vector.load %arg2[%get3A, %get3A_0, %get3A_1] : memref<1x1000x128xf32, #tpu.memory_space<vmem>>, vector<1x1000x128xf32>
    %get3A_3 = vector.shape_cast %get3A_2 : vector<1x1000x128xf32> to vector<1000x128xf32>
    %get3A_4 = arith.constant 0 : index
    %get3A_5 = arith.constant 0 : index
    %get3A_6 = arith.constant 0 : index
    %get3A_7 = vector.load %arg3[%get3A_4, %get3A_5, %get3A_6] : memref<1x1000x128xf32, #tpu.memory_space<vmem>>, vector<1x1000x128xf32>
    %get3A_8 = vector.shape_cast %get3A_7 : vector<1x1000x128xf32> to vector<1000x128xf32>
    %add3A = arith.addf %get3A_3, %get3A_8 : vector<1000x128xf32>
    %get3A_9 = arith.constant 0 : index
    %get3A_10 = arith.constant 0 : index
    %get3A_11 = vector.load %arg1[%get3A_9, %get3A_10] : memref<1000x128xf32, #tpu.memory_space<vmem>>, vector<1000x128xf32>
    %get3A_12 = arith.constant 0 : index
    %get3A_13 = arith.constant 0 : index
    %get3A_14 = vector.load %arg4[%get3A_12, %get3A_13] : memref<128x128xf32, #tpu.memory_space<vmem>>, vector<128x128xf32>
    %dot_general3A = arith.constant dense<0.000000e+00> : vector<1000x128xf32>
    %dot_general3A_15 = tpu.matmul %get3A_11, %get3A_14, %dot_general3A {dimension_numbers = #tpu.dot_dimension_numbers<[1], [0], [0], [1], [0, 0, 1, 1], [], []>, transpose_lhs_hint = false} : vector<1000x128xf32>, vector<128x128xf32>, vector<1000x128xf32> -> vector<1000x128xf32>
    %get3A_16 = arith.constant 0 : index
    %get3A_17 = arith.constant 0 : index
    %get3A_18 = vector.load %arg5[%get3A_16, %get3A_17] : memref<128x128xf32, #tpu.memory_space<vmem>>, vector<128x128xf32>
    %dot_general3A_19 = arith.constant dense<0.000000e+00> : vector<1000x128xf32>
    %dot_general3A_20 = tpu.matmul %add3A, %get3A_18, %dot_general3A_19 {dimension_numbers = #tpu.dot_dimension_numbers<[1], [0], [0], [1], [0, 0, 1, 1], [], []>, transpose_lhs_hint = false} : vector<1000x128xf32>, vector<128x128xf32>, vector<1000x128xf32> -> vector<1000x128xf32>
    %add3A_21 = arith.addf %dot_general3A_15, %dot_general3A_20 : vector<1000x128xf32>
    %get3A_22 = arith.constant 0 : index
    %get3A_23 = arith.constant 0 : index
    %get3A_24 = vector.load %arg6[%get3A_22, %get3A_23] : memref<1x128xf32, #tpu.memory_space<vmem>>, vector<1x128xf32>
    %add3A_25 = vector.broadcast %get3A_24 : vector<1x128xf32> to vector<1000x128xf32>
    %add3A_26 = arith.addf %add3A_21, %add3A_25 : vector<1000x128xf32>
    %max3A = arith.constant 0.000000e+00 : f32
    %max3A_27 = vector.broadcast %max3A : f32 to vector<1000x128xf32>
    %max3A_28 = arith.maximumf %add3A_26, %max3A_27 : vector<1000x128xf32>
    %swap3A = arith.constant 0 : index
    %swap3A_29 = arith.constant 0 : index
    %swap3A_30 = vector.load %arg9[%swap3A, %swap3A_29] : memref<1000x128xf32, #tpu.memory_space<vmem>>, vector<1000x128xf32>
    tpu.vector_store %arg9[%swap3A, %swap3A_29], %max3A_28 {strides = array<i32>} : memref<1000x128xf32, #tpu.memory_space<vmem>>, vector<1000x128xf32>,
    %get3A_31 = arith.constant 0 : index
    %get3A_32 = arith.constant 0 : index
    %get3A_33 = vector.load %arg7[%get3A_31, %get3A_32] : memref<128x128xf32, #tpu.memory_space<vmem>>, vector<128x128xf32>
    %dot_general3A_34 = arith.constant dense<0.000000e+00> : vector<1000x128xf32>
    %dot_general3A_35 = tpu.matmul %max3A_28, %get3A_33, %dot_general3A_34 {dimension_numbers = #tpu.dot_dimension_numbers<[1], [0], [0], [1], [0, 0, 1, 1], [], []>, transpose_lhs_hint = false} : vector<1000x128xf32>, vector<128x128xf32>, vector<1000x128xf32> -> vector<1000x128xf32>
    %get3A_36 = arith.constant 0 : index
    %get3A_37 = arith.constant 0 : index
    %get3A_38 = vector.load %arg8[%get3A_36, %get3A_37] : memref<1x128xf32, #tpu.memory_space<vmem>>, vector<1x128xf32>
    %add3A_39 = vector.broadcast %get3A_38 : vector<1x128xf32> to vector<1000x128xf32>
    %add3A_40 = arith.addf %dot_general3A_35, %add3A_39 : vector<1000x128xf32>
    %max3A_41 = arith.constant 0.000000e+00 : f32
    %max3A_42 = vector.broadcast %max3A_41 : f32 to vector<1000x128xf32>
    %max3A_43 = arith.maximumf %add3A_40, %max3A_42 : vector<1000x128xf32>
    %swap3A_44 = arith.constant 0 : index
    %swap3A_45 = arith.constant 0 : index
    %swap3A_46 = vector.load %arg10[%swap3A_44, %swap3A_45] : memref<1000x128xf32, #tpu.memory_space<vmem>>, vector<1000x128xf32>
    tpu.vector_store %arg10[%swap3A_44, %swap3A_45], %max3A_43 {strides = array<i32>} : memref<1000x128xf32, #tpu.memory_space<vmem>>, vector<1000x128xf32>,
    return
  }
  func.func @transform_0(%arg0: i32) -> (i32, i32) {
    %c0_i32 = arith.constant 0 : i32
    %c0_i32_0 = arith.constant 0 : i32
    return %arg0, %c0_i32 : i32, i32
  }
  func.func @transform_1(%arg0: i32) -> (i32, i32, i32) {
    %c0_i32 = arith.constant 0 : i32
    %c0_i32_0 = arith.constant 0 : i32
    %c0_i32_1 = arith.constant 0 : i32
    return %c0_i32, %arg0, %c0_i32_0 : i32, i32, i32
  }
  func.func @transform_2(%arg0: i32) -> (i32, i32, i32) {
    %c1_i32 = arith.constant 1 : i32
    %c0_i32 = arith.constant 0 : i32
    %c0_i32_0 = arith.constant 0 : i32
    return %c1_i32, %arg0, %c0_i32 : i32, i32, i32
  }
  func.func @transform_3(%arg0: i32) -> (i32, i32) {
    %c0_i32 = arith.constant 0 : i32
    %c0_i32_0 = arith.constant 0 : i32
    %c0_i32_1 = arith.constant 0 : i32
    return %c0_i32, %c0_i32_0 : i32, i32
  }
  func.func @transform_4(%arg0: i32) -> (i32, i32) {
    %c0_i32 = arith.constant 0 : i32
    %c0_i32_0 = arith.constant 0 : i32
    %c0_i32_1 = arith.constant 0 : i32
    return %c0_i32, %c0_i32_0 : i32, i32
  }
  func.func @transform_5(%arg0: i32) -> (i32, i32) {
    %c0_i32 = arith.constant 0 : i32
    %c0_i32_0 = arith.constant 0 : i32
    %c0_i32_1 = arith.constant 0 : i32
    return %c0_i32, %c0_i32_0 : i32, i32
  }
  func.func @transform_6(%arg0: i32) -> (i32, i32) {
    %c0_i32 = arith.constant 0 : i32
    %c0_i32_0 = arith.constant 0 : i32
    %c0_i32_1 = arith.constant 0 : i32
    return %c0_i32, %c0_i32_0 : i32, i32
  }
  func.func @transform_7(%arg0: i32) -> (i32, i32) {
    %c0_i32 = arith.constant 0 : i32
    %c0_i32_0 = arith.constant 0 : i32
    %c0_i32_1 = arith.constant 0 : i32
    return %c0_i32, %c0_i32_0 : i32, i32
  }
  func.func @transform_8(%arg0: i32) -> (i32, i32) {
    %c0_i32 = arith.constant 0 : i32
    %c0_i32_0 = arith.constant 0 : i32
    return %arg0, %c0_i32 : i32, i32
  }
  func.func @transform_9(%arg0: i32) -> (i32, i32) {
    %c0_i32 = arith.constant 0 : i32
    %c0_i32_0 = arith.constant 0 : i32
    return %arg0, %c0_i32 : i32, i32
  }
}

module attributes {stable_mosaic.version = 14 : i64} {
  func.func @body(%arg0: i32, %arg1: memref<1000x128xf32, #tpu.memory_space<vmem>>, %arg2: memref<128x128xf32, #tpu.memory_space<vmem>>, %arg3: memref<1x128xf32, #tpu.memory_space<vmem>>, %arg4: memref<128x128xf32, #tpu.memory_space<vmem>>, %arg5: memref<1x128xf32, #tpu.memory_space<vmem>>, %arg6: memref<1000x128xf32, #tpu.memory_space<vmem>>, %arg7: memref<1000x128xf32, #tpu.memory_space<vmem>>) attributes {dimension_semantics = [#tpu.dimension_semantics<arbitrary>], iteration_bounds = array<i64: 10>, scalar_prefetch = 0 : i64, scratch_operands = 0 : i64, tpu.core_type = #tpu.core_type<tc>, window_params = [{transform_indices = @transform_0, window_bounds = array<i64: 1000, 128>}, {pipeline_mode = #tpu.pipeline_mode<synchronous>, transform_indices = @transform_1, window_bounds = array<i64: 128, 128>}, {pipeline_mode = #tpu.pipeline_mode<synchronous>, transform_indices = @transform_2, window_bounds = array<i64: 1, 128>}, {pipeline_mode = #tpu.pipeline_mode<synchronous>, transform_indices = @transform_3, window_bounds = array<i64: 128, 128>}, {pipeline_mode = #tpu.pipeline_mode<synchronous>, transform_indices = @transform_4, window_bounds = array<i64: 1, 128>}, {transform_indices = @transform_5, window_bounds = array<i64: 1000, 128>}, {transform_indices = @transform_6, window_bounds = array<i64: 1000, 128>}]} {
    %get3A = arith.constant 0 : index
    %get3A_0 = arith.constant 0 : index
    %get3A_1 = vector.load %arg1[%get3A, %get3A_0] : memref<1000x128xf32, #tpu.memory_space<vmem>>, vector<1000x128xf32>
    %get3A_2 = arith.constant 0 : index
    %get3A_3 = arith.constant 0 : index
    %get3A_4 = vector.load %arg2[%get3A_2, %get3A_3] : memref<128x128xf32, #tpu.memory_space<vmem>>, vector<128x128xf32>
    %dot_general3A = arith.constant dense<0.000000e+00> : vector<1000x128xf32>
    %dot_general3A_5 = tpu.matmul %get3A_1, %get3A_4, %dot_general3A {dimension_numbers = #tpu.dot_dimension_numbers<[1], [0], [0], [1], [0, 0, 1, 1], [], []>, transpose_lhs_hint = false} : vector<1000x128xf32>, vector<128x128xf32>, vector<1000x128xf32> -> vector<1000x128xf32>
    %get3A_6 = arith.constant 0 : index
    %get3A_7 = arith.constant 0 : index
    %get3A_8 = vector.load %arg3[%get3A_6, %get3A_7] : memref<1x128xf32, #tpu.memory_space<vmem>>, vector<1x128xf32>
    %add3A = vector.broadcast %get3A_8 : vector<1x128xf32> to vector<1000x128xf32>
    %add3A_9 = arith.addf %dot_general3A_5, %add3A : vector<1000x128xf32>
    %max3A = arith.constant 0.000000e+00 : f32
    %max3A_10 = vector.broadcast %max3A : f32 to vector<1000x128xf32>
    %max3A_11 = arith.maximumf %add3A_9, %max3A_10 : vector<1000x128xf32>
    %swap3A = arith.constant 0 : index
    %swap3A_12 = arith.constant 0 : index
    %swap3A_13 = vector.load %arg6[%swap3A, %swap3A_12] : memref<1000x128xf32, #tpu.memory_space<vmem>>, vector<1000x128xf32>
    tpu.vector_store %arg6[%swap3A, %swap3A_12], %max3A_11 {strides = array<i32>} : memref<1000x128xf32, #tpu.memory_space<vmem>>, vector<1000x128xf32>,
    %get3A_14 = arith.constant 0 : index
    %get3A_15 = arith.constant 0 : index
    %get3A_16 = vector.load %arg4[%get3A_14, %get3A_15] : memref<128x128xf32, #tpu.memory_space<vmem>>, vector<128x128xf32>
    %dot_general3A_17 = arith.constant dense<0.000000e+00> : vector<1000x128xf32>
    %dot_general3A_18 = tpu.matmul %max3A_11, %get3A_16, %dot_general3A_17 {dimension_numbers = #tpu.dot_dimension_numbers<[1], [0], [0], [1], [0, 0, 1, 1], [], []>, transpose_lhs_hint = false} : vector<1000x128xf32>, vector<128x128xf32>, vector<1000x128xf32> -> vector<1000x128xf32>
    %get3A_19 = arith.constant 0 : index
    %get3A_20 = arith.constant 0 : index
    %get3A_21 = vector.load %arg5[%get3A_19, %get3A_20] : memref<1x128xf32, #tpu.memory_space<vmem>>, vector<1x128xf32>
    %add3A_22 = vector.broadcast %get3A_21 : vector<1x128xf32> to vector<1000x128xf32>
    %add3A_23 = arith.addf %dot_general3A_18, %add3A_22 : vector<1000x128xf32>
    %max3A_24 = arith.constant 0.000000e+00 : f32
    %max3A_25 = vector.broadcast %max3A_24 : f32 to vector<1000x128xf32>
    %max3A_26 = arith.maximumf %add3A_23, %max3A_25 : vector<1000x128xf32>
    %swap3A_27 = arith.constant 0 : index
    %swap3A_28 = arith.constant 0 : index
    %swap3A_29 = vector.load %arg7[%swap3A_27, %swap3A_28] : memref<1000x128xf32, #tpu.memory_space<vmem>>, vector<1000x128xf32>
    tpu.vector_store %arg7[%swap3A_27, %swap3A_28], %max3A_26 {strides = array<i32>} : memref<1000x128xf32, #tpu.memory_space<vmem>>, vector<1000x128xf32>,
    return
  }
  func.func @transform_0(%arg0: i32) -> (i32, i32) {
    %c0_i32 = arith.constant 0 : i32
    %c0_i32_0 = arith.constant 0 : i32
    return %arg0, %c0_i32 : i32, i32
  }
  func.func @transform_1(%arg0: i32) -> (i32, i32) {
    %c0_i32 = arith.constant 0 : i32
    %c0_i32_0 = arith.constant 0 : i32
    %c0_i32_1 = arith.constant 0 : i32
    return %c0_i32, %c0_i32_0 : i32, i32
  }
  func.func @transform_2(%arg0: i32) -> (i32, i32) {
    %c0_i32 = arith.constant 0 : i32
    %c0_i32_0 = arith.constant 0 : i32
    %c0_i32_1 = arith.constant 0 : i32
    return %c0_i32, %c0_i32_0 : i32, i32
  }
  func.func @transform_3(%arg0: i32) -> (i32, i32) {
    %c0_i32 = arith.constant 0 : i32
    %c0_i32_0 = arith.constant 0 : i32
    %c0_i32_1 = arith.constant 0 : i32
    return %c0_i32, %c0_i32_0 : i32, i32
  }
  func.func @transform_4(%arg0: i32) -> (i32, i32) {
    %c0_i32 = arith.constant 0 : i32
    %c0_i32_0 = arith.constant 0 : i32
    %c0_i32_1 = arith.constant 0 : i32
    return %c0_i32, %c0_i32_0 : i32, i32
  }
  func.func @transform_5(%arg0: i32) -> (i32, i32) {
    %c0_i32 = arith.constant 0 : i32
    %c0_i32_0 = arith.constant 0 : i32
    return %arg0, %c0_i32 : i32, i32
  }
  func.func @transform_6(%arg0: i32) -> (i32, i32) {
    %c0_i32 = arith.constant 0 : i32
    %c0_i32_0 = arith.constant 0 : i32
    return %arg0, %c0_i32 : i32, i32
  }
}

module attributes {stable_mosaic.version = 14 : i64} {
  func.func @body(%arg0: i32, %arg1: memref<1000x128xf32, #tpu.memory_space<vmem>>, %arg2: memref<1x1000x128xf32, #tpu.memory_space<vmem>>, %arg3: memref<1x1000x128xf32, #tpu.memory_space<vmem>>, %arg4: memref<128x128xf32, #tpu.memory_space<vmem>>, %arg5: memref<128x128xf32, #tpu.memory_space<vmem>>, %arg6: memref<1x128xf32, #tpu.memory_space<vmem>>, %arg7: memref<128x128xf32, #tpu.memory_space<vmem>>, %arg8: memref<1x128xf32, #tpu.memory_space<vmem>>, %arg9: memref<1000x128xf32, #tpu.memory_space<vmem>>) attributes {dimension_semantics = [#tpu.dimension_semantics<arbitrary>], iteration_bounds = array<i64: 10>, scalar_prefetch = 0 : i64, scratch_operands = 0 : i64, tpu.core_type = #tpu.core_type<tc>, window_params = [{transform_indices = @transform_0, window_bounds = array<i64: 1000, 128>}, {transform_indices = @transform_1, window_bounds = array<i64: 1, 1000, 128>}, {transform_indices = @transform_2, window_bounds = array<i64: 1, 1000, 128>}, {pipeline_mode = #tpu.pipeline_mode<synchronous>, transform_indices = @transform_3, window_bounds = array<i64: 128, 128>}, {pipeline_mode = #tpu.pipeline_mode<synchronous>, transform_indices = @transform_4, window_bounds = array<i64: 128, 128>}, {pipeline_mode = #tpu.pipeline_mode<synchronous>, transform_indices = @transform_5, window_bounds = array<i64: 1, 128>}, {pipeline_mode = #tpu.pipeline_mode<synchronous>, transform_indices = @transform_6, window_bounds = array<i64: 128, 128>}, {pipeline_mode = #tpu.pipeline_mode<synchronous>, transform_indices = @transform_7, window_bounds = array<i64: 1, 128>}, {transform_indices = @transform_8, window_bounds = array<i64: 1000, 128>}]} {
    %get3A = arith.constant 0 : index
    %get3A_0 = arith.constant 0 : index
    %get3A_1 = arith.constant 0 : index
    %get3A_2 = vector.load %arg2[%get3A, %get3A_0, %get3A_1] : memref<1x1000x128xf32, #tpu.memory_space<vmem>>, vector<1x1000x128xf32>
    %get3A_3 = vector.shape_cast %get3A_2 : vector<1x1000x128xf32> to vector<1000x128xf32>
    %get3A_4 = arith.constant 0 : index
    %get3A_5 = arith.constant 0 : index
    %get3A_6 = arith.constant 0 : index
    %get3A_7 = vector.load %arg3[%get3A_4, %get3A_5, %get3A_6] : memref<1x1000x128xf32, #tpu.memory_space<vmem>>, vector<1x1000x128xf32>
    %get3A_8 = vector.shape_cast %get3A_7 : vector<1x1000x128xf32> to vector<1000x128xf32>
    %add3A = arith.addf %get3A_3, %get3A_8 : vector<1000x128xf32>
    %get3A_9 = arith.constant 0 : index
    %get3A_10 = arith.constant 0 : index
    %get3A_11 = vector.load %arg1[%get3A_9, %get3A_10] : memref<1000x128xf32, #tpu.memory_space<vmem>>, vector<1000x128xf32>
    %get3A_12 = arith.constant 0 : index
    %get3A_13 = arith.constant 0 : index
    %get3A_14 = vector.load %arg4[%get3A_12, %get3A_13] : memref<128x128xf32, #tpu.memory_space<vmem>>, vector<128x128xf32>
    %dot_general3A = arith.constant dense<0.000000e+00> : vector<1000x128xf32>
    %dot_general3A_15 = tpu.matmul %get3A_11, %get3A_14, %dot_general3A {dimension_numbers = #tpu.dot_dimension_numbers<[1], [0], [0], [1], [0, 0, 1, 1], [], []>, transpose_lhs_hint = false} : vector<1000x128xf32>, vector<128x128xf32>, vector<1000x128xf32> -> vector<1000x128xf32>
    %get3A_16 = arith.constant 0 : index
    %get3A_17 = arith.constant 0 : index
    %get3A_18 = vector.load %arg5[%get3A_16, %get3A_17] : memref<128x128xf32, #tpu.memory_space<vmem>>, vector<128x128xf32>
    %dot_general3A_19 = arith.constant dense<0.000000e+00> : vector<1000x128xf32>
    %dot_general3A_20 = tpu.matmul %add3A, %get3A_18, %dot_general3A_19 {dimension_numbers = #tpu.dot_dimension_numbers<[1], [0], [0], [1], [0, 0, 1, 1], [], []>, transpose_lhs_hint = false} : vector<1000x128xf32>, vector<128x128xf32>, vector<1000x128xf32> -> vector<1000x128xf32>
    %add3A_21 = arith.addf %dot_general3A_15, %dot_general3A_20 : vector<1000x128xf32>
    %get3A_22 = arith.constant 0 : index
    %get3A_23 = arith.constant 0 : index
    %get3A_24 = vector.load %arg6[%get3A_22, %get3A_23] : memref<1x128xf32, #tpu.memory_space<vmem>>, vector<1x128xf32>
    %add3A_25 = vector.broadcast %get3A_24 : vector<1x128xf32> to vector<1000x128xf32>
    %add3A_26 = arith.addf %add3A_21, %add3A_25 : vector<1000x128xf32>
    %max3A = arith.constant 0.000000e+00 : f32
    %max3A_27 = vector.broadcast %max3A : f32 to vector<1000x128xf32>
    %max3A_28 = arith.maximumf %add3A_26, %max3A_27 : vector<1000x128xf32>
    %get3A_29 = arith.constant 0 : index
    %get3A_30 = arith.constant 0 : index
    %get3A_31 = vector.load %arg7[%get3A_29, %get3A_30] : memref<128x128xf32, #tpu.memory_space<vmem>>, vector<128x128xf32>
    %dot_general3A_32 = arith.constant dense<0.000000e+00> : vector<1000x128xf32>
    %dot_general3A_33 = tpu.matmul %max3A_28, %get3A_31, %dot_general3A_32 {dimension_numbers = #tpu.dot_dimension_numbers<[1], [0], [0], [1], [0, 0, 1, 1], [], []>, transpose_lhs_hint = false} : vector<1000x128xf32>, vector<128x128xf32>, vector<1000x128xf32> -> vector<1000x128xf32>
    %get3A_34 = arith.constant 0 : index
    %get3A_35 = arith.constant 0 : index
    %get3A_36 = vector.load %arg8[%get3A_34, %get3A_35] : memref<1x128xf32, #tpu.memory_space<vmem>>, vector<1x128xf32>
    %add3A_37 = vector.broadcast %get3A_36 : vector<1x128xf32> to vector<1000x128xf32>
    %add3A_38 = arith.addf %dot_general3A_33, %add3A_37 : vector<1000x128xf32>
    %swap3A = arith.constant 0 : index
    %swap3A_39 = arith.constant 0 : index
    %swap3A_40 = vector.load %arg9[%swap3A, %swap3A_39] : memref<1000x128xf32, #tpu.memory_space<vmem>>, vector<1000x128xf32>
    tpu.vector_store %arg9[%swap3A, %swap3A_39], %add3A_38 {strides = array<i32>} : memref<1000x128xf32, #tpu.memory_space<vmem>>, vector<1000x128xf32>,
    return
  }
  func.func @transform_0(%arg0: i32) -> (i32, i32) {
    %c0_i32 = arith.constant 0 : i32
    %c0_i32_0 = arith.constant 0 : i32
    return %arg0, %c0_i32 : i32, i32
  }
  func.func @transform_1(%arg0: i32) -> (i32, i32, i32) {
    %c0_i32 = arith.constant 0 : i32
    %c0_i32_0 = arith.constant 0 : i32
    %c0_i32_1 = arith.constant 0 : i32
    return %c0_i32, %arg0, %c0_i32_0 : i32, i32, i32
  }
  func.func @transform_2(%arg0: i32) -> (i32, i32, i32) {
    %c1_i32 = arith.constant 1 : i32
    %c0_i32 = arith.constant 0 : i32
    %c0_i32_0 = arith.constant 0 : i32
    return %c1_i32, %arg0, %c0_i32 : i32, i32, i32
  }
  func.func @transform_3(%arg0: i32) -> (i32, i32) {
    %c0_i32 = arith.constant 0 : i32
    %c0_i32_0 = arith.constant 0 : i32
    %c0_i32_1 = arith.constant 0 : i32
    return %c0_i32, %c0_i32_0 : i32, i32
  }
  func.func @transform_4(%arg0: i32) -> (i32, i32) {
    %c0_i32 = arith.constant 0 : i32
    %c0_i32_0 = arith.constant 0 : i32
    %c0_i32_1 = arith.constant 0 : i32
    return %c0_i32, %c0_i32_0 : i32, i32
  }
  func.func @transform_5(%arg0: i32) -> (i32, i32) {
    %c0_i32 = arith.constant 0 : i32
    %c0_i32_0 = arith.constant 0 : i32
    %c0_i32_1 = arith.constant 0 : i32
    return %c0_i32, %c0_i32_0 : i32, i32
  }
  func.func @transform_6(%arg0: i32) -> (i32, i32) {
    %c0_i32 = arith.constant 0 : i32
    %c0_i32_0 = arith.constant 0 : i32
    %c0_i32_1 = arith.constant 0 : i32
    return %c0_i32, %c0_i32_0 : i32, i32
  }
  func.func @transform_7(%arg0: i32) -> (i32, i32) {
    %c0_i32 = arith.constant 0 : i32
    %c0_i32_0 = arith.constant 0 : i32
    %c0_i32_1 = arith.constant 0 : i32
    return %c0_i32, %c0_i32_0 : i32, i32
  }
  func.func @transform_8(%arg0: i32) -> (i32, i32) {
    %c0_i32 = arith.constant 0 : i32
    %c0_i32_0 = arith.constant 0 : i32
    return %arg0, %c0_i32 : i32, i32
  }
}

</mosaic_0001>

<sc_bundles>
// kernel: kernel.10.cloned.1.call-start
scs
__scs_entry_jumppad:
0x0: {  	(pc) =	sbr.rel $0x88, $3  }
0x1: {  	(tag) =	ssettag $0x0;
	lr =	simm.s32 $0x1  }
0x2: {  	[smem:$0x3F93] =	sst lr;
	_ =	strace $0xD0000000  }
0x3: {  	_ = 	snop  }
0x4: {  	_ = 	snop  }
0x5: {  	_ = 	snop  }
0x6: {  	_ = 	snop  }
0x7: {  	_ = 	snop  }
__scs_overlays_trampoline_lowered:
0x8: {  	[smem:$0x3FA2] =	sst s0  }
0x9: {  	[smem:$0x3FA3] =	sst s1  }
0xa: {  	[smem:$0x3FA4] =	sst s2  }
0xb: {  	[smem:$0x3FA5] =	sst s3  }
0xc: {  	[smem:$0x3FA6] =	sst s4  }
0xd: {  	[smem:$0x3FA7] =	sst s5  }
0xe: {  	[smem:$0x3FA8] =	sst s6  }
0xf: {  	[smem:$0x3FA9] =	sst s7  }
0x10: {  	[smem:$0x3FAA] =	sst s8  }
0x11: {  	[smem:$0x3FAB] =	sst s9;
	s0 =	simm.s32 @!p0 $0x0  }
0x12: {  	s1 =	sld [smem:$0x3F91];
	s0 =	simm.s32 @p0 $0x1  }
0x13: {  	[smem:$0x3FAC] =	sst s0;
	s0 =	simm.s32 @!p1 $0x0  }
0x14: {  	s2 =	sld [smem:$0x3F90];
	s0 =	simm.s32 @p1 $0x1  }
0x15: {  	[smem:$0x3FAD] =	sst s0;
	s0 =	simm.s32 @!p2 $0x0  }
0x16: {  	s3 =	sld [smem:$0x3FDB];
	s0 =	simm.s32 @p2 $0x1  }
0x17: {  	s4 =	simm.s32 $0x1BF5;
	[smem:$0x3FAF] =	sst s0  }
0x18: {  	s0 =	sld [smem:$0x3F92];
	_ =	swait.ge [sflag:s4], $0x0  }
0x19: {  	s7 =	sld [smem:$0x3F93]  }
0x1a: {  	s8 =	sadd.s32 $0xFFFFE003, lr  }
0x1b: {  	s9 =	sadd.s32 $0xFFFFFEF7, lr;
	s5 =	simm.s32 $0xFFFFFFFF;
	p2 =	slt.u32 s8, $0xFFFFF086  }
0x1c: {  	p1 =	slt.u32 s9, $0xF7A;
	s5 =	simm.s32 @!p2 $0x0  }
0x1d: {  	s5 =	simm.s32 @p1 $0x1;
	p0 =	seq.s32 s7, s2  }
0x1e: {  	s7 =	smul.u32 @!p0 $0xF7A, s2;
	p2 =	seq.s32 @!p0 s5, $0x0  }
0x1f: {  	s9 =	smul.u32 $0xF7A, s1;
	s8 =	simm.s32 @!p0 $0x1BF5;
	p2 =	por !p2, p0  }
0x20: {  	[sflag:s8] =	ssyncset.s32 @!p0 $0xFFFFF086;
	s6 =	sadd.s32 @!p0 s3, s7;
	s7 =	simm.s32 @!p0 $0x108  }
0x21: {  	s3 =	sadd.s32 s3, s9;
	s6 =	sadd.s32 @!p0 $0x88, s6;
	s7 =	simm.s32 @p2 $0x1082  }
0x22: {  	[simem:s7], [sflag:s8] =	dma.local @!p0 [hbm:s6], $0xF7A  }
0x23: {  	s9 =	sor.u32 $0xD0000000, s2;
	s6 =	simm.s32 $0x108;
	_ =	swait.ge @!p0 [sflag:s8], $0x0  }
0x24: {  	s3 =	sadd.s32 $0x88, s3;
	s6 =	simm.s32 @!p1 $0x1082;
	[sflag:s4] =	ssyncset.s32 $0xFFFFF086  }
0x25: {  	[simem:s6], [sflag:s4] =	dma.local [hbm:s3], $0xF7A  }
0x26: {  	[smem:$0x3F93] =	sst s1;
	(tag) =	ssettag s2;
	_ =	strace s9  }
0x27: {  	s1 =	sld [smem:$0x3FA3]  }
0x28: {  	s2 =	sld [smem:$0x3FA4]  }
0x29: {  	s4 =	sld [smem:$0x3FA6]  }
0x2a: {  	p0 =	seq.s32 s5, $0x0;
	s5 =	sld [smem:$0x3FA7]  }
0x2b: {  	s6 =	sld [smem:$0x3FA8]  }
0x2c: {  	s7 =	sld [smem:$0x3FA9]  }
0x2d: {  	s3 =	simm.s32 $0x108;
	s8 =	sld [smem:$0x3FAA]  }
0x2e: {  	s3 =	simm.s32 @!p0 $0x1082;
	s9 =	sld [smem:$0x3FAB]  }
0x2f: {  	lr =	sadd.s32 s0, s3;
	s0 =	sld [smem:$0x3FA2]  }
0x30: {  	s3 =	sld [smem:$0x3FA5]  }
0x31: {  	[smem:$0x3FAE] =	sst s10  }
0x32: {  	s10 =	sld [smem:$0x3FAC];
	_ =	sdelay $0x3  }
0x33: {  	p0 =	seq.s32 s10, $0x1;
	s10 =	sld [smem:$0x3FAE];
	_ =	sdelay $0x3  }
0x34: {  	[smem:$0x3FAE] =	sst s10  }
0x35: {  	s10 =	sld [smem:$0x3FAD];
	_ =	sdelay $0x3  }
0x36: {  	p1 =	seq.s32 s10, $0x1;
	s10 =	sld [smem:$0x3FAE];
	_ =	sdelay $0x3  }
0x37: {  	[smem:$0x3FAE] =	sst s10  }
0x38: {  	s10 =	sld [smem:$0x3FAF]  }
0x39: {  	_ = 	snop;
	(pc) =	sbr.ind lr, $3  }
0x3a: {  	_ = 	snop  }
0x3b: {  	_ = 	snop  }
0x3c: {  	p2 =	seq.s32 s10, $0x1;
	s10 =	sld [smem:$0x3FAE]  }
0x3d: {  	_ =	shalt  }
0x3e: {  	_ =	shalt  }
0x3f: {  	_ =	shalt  }
0x40: {  	_ =	shalt  }
0x41: {  	_ =	shalt  }
0x42: {  	_ =	shalt  }
0x43: {  	_ =	shalt  }
0x44: {  	_ =	shalt  }
0x45: {  	_ =	shalt  }
0x46: {  	_ =	shalt  }
0x47: {  	_ =	shalt  }
0x48: {  	_ =	shalt  }
0x49: {  	_ =	shalt  }
0x4a: {  	_ =	shalt  }
0x4b: {  	_ =	shalt  }
0x4c: {  	_ =	shalt  }
0x4d: {  	_ =	shalt  }
0x4e: {  	_ =	shalt  }
0x4f: {  	_ =	shalt  }
0x50: {  	_ =	shalt  }
0x51: {  	_ =	shalt  }
0x52: {  	_ =	shalt  }
0x53: {  	_ =	shalt  }
0x54: {  	_ =	shalt  }
0x55: {  	_ =	shalt  }
0x56: {  	_ =	shalt  }
0x57: {  	_ =	shalt  }
0x58: {  	_ =	shalt  }
0x59: {  	_ =	shalt  }
0x5a: {  	_ =	shalt  }
0x5b: {  	_ =	shalt  }
0x5c: {  	_ =	shalt  }
0x5d: {  	_ =	shalt  }
0x5e: {  	_ =	shalt  }
0x5f: {  	_ =	shalt  }
0x60: {  	_ =	shalt  }
0x61: {  	_ =	shalt  }
0x62: {  	_ =	shalt  }
0x63: {  	_ =	shalt  }
0x64: {  	_ =	shalt  }
0x65: {  	_ =	shalt  }
0x66: {  	_ =	shalt  }
0x67: {  	_ =	shalt  }
0x68: {  	_ =	shalt  }
0x69: {  	_ =	shalt  }
0x6a: {  	_ =	shalt  }
0x6b: {  	_ =	shalt  }
0x6c: {  	_ =	shalt  }
0x6d: {  	_ =	shalt  }
0x6e: {  	_ =	shalt  }
0x6f: {  	_ =	shalt  }
0x70: {  	_ =	shalt  }
0x71: {  	_ =	shalt  }
0x72: {  	_ =	shalt  }
0x73: {  	_ =	shalt  }
0x74: {  	_ =	shalt  }
0x75: {  	_ =	shalt  }
0x76: {  	_ =	shalt  }
0x77: {  	_ =	shalt  }
0x78: {  	_ =	shalt  }
0x79: {  	_ =	shalt  }
0x7a: {  	_ =	shalt  }
0x7b: {  	_ =	shalt  }
0x7c: {  	_ =	shalt  }
0x7d: {  	_ =	shalt  }
0x7e: {  	_ =	shalt  }
0x7f: {  	_ =	shalt  }
0x80: {  	_ =	shalt  }
0x81: {  	_ =	shalt  }
0x82: {  	_ =	shalt  }
0x83: {  	_ =	shalt  }
0x84: {  	_ =	shalt  }
0x85: {  	_ =	shalt  }
0x86: {  	_ =	shalt  }
0x87: {  	_ =	shalt  }
.Lfunc_end0:
.L_simem_size_0:
called_computation.1_lowered:
.L_overlay_start_0:
0x88: {  	s2 =	sld [smem:$0x3FD9]  }
0x89: {  	s3 =	sld [smem:$0x3FFE];
	_ =	sdelay $0x1  }
0x8a: {  	s1 =	srdreg.scid  }
0x8b: {  	s0 =	sand.u32 $0x1, s1  }
0x8c: {  	s16 =	sshll.u32 s0, $0xA;
	s2 =	sadd.s32 s3, s2  }
0x8d: {  	s2 =	sadd.s32 s2, s16  }
0x8e: {  	[smem:$0x3FBA] =	sst s2  }
0x8f: {  	_ = 	snop  }
0x90: {  	(tm) =	ssettm $0x1  }
0x91: {  	s17 =	sld [smem:$0x3FFB];
	_ =	sdelay $0x3  }
0x92: {  	_ =	strace s17  }
0x93: {  	s2 =	sld [smem:$0x3FFC];
	_ =	sdelay $0x3  }
0x94: {  	_ =	strace s2  }
0x95: {  	s2 =	sld [smem:$0x3FFD];
	_ =	sdelay $0x3  }
0x96: {  	_ =	strace s2  }
0x97: {  	_ =	strace $0x8FFFFFFF  }
0x98: {  	s18 =	sld [smem:$0x3FDB];
	_ =	sdelay $0x1  }
0x99: {  	s19 =	simm.s32 $_scs_section_size  }
0x9a: {  	s4 =	simm.s32 $_size__tile_overlayer_lowered;
	s5 =	simm.s32 $_tile_overlayer_lowered  }
0x9b: {  	s22 =	simm.s32 $0x1BFF;
	s21 =	sshll.u32 s5, $0x1;
	s2 =	sadd.s32 s19, s18  }
0x9c: {  	s6 =	simm.s32 $0x0;
	s20 =	sshll.u32 s4, $0x1;
	s4 =	sadd.s32 s21, s2  }
0x9d: {  	[timem:s6], [sflag:s22] =	dma.local [hbm:s4], s20  }
0x9e: {  	_ =	swait.ge [sflag:s22], s20  }
0x9f: {  	s3 =	ssub.s32 $0x0, s20;
	[sflag:s22] =	ssyncset.done $0x0  }
0xa0: {  	[sflag:s22] =	ssyncadd.s32 s3;
	_ =	sdelay $0x1  }
0xa1: {  	s23 =	simm.s32 $0x1B8B  }
0xa2: {  	_ =	swait.ge [sflag:s23], $0x1  }
0xa3: {  	[sflag:s23] =	ssyncset.done $0x0  }
0xa4: {  	s25 =	simm.s32 $0x1B8E;
	s24 =	sld [smem:$0x3FFE];
	[sflag:s23] =	ssyncadd.s32 $0xFFFFFFFF  }
0xa5: {  	s26 =	simm.s32 $execute0_lowered;
	[smem:$0x3FD2] =	sst s25  }
0xa6: {  	s4 =	sshll.u32 s26, $0x1;
	_ =	strace $0x80000049;
	[dreg:$0x1] =	wrdreg $0xFFFFFFFF  }
0xa7: {  	s28 =	simm.s32 $_size_execute0_lowered;
	s2 =	sadd.s32 s2, s4;
	[dreg:$0x0] =	wrdreg $0x0  }
0xa8: {  	s4 =	sshll.u32 s28, $0x1;
	[dreg:$0x2] =	wrdreg s2  }
0xa9: {  	[dreg:$0x3] =	wrdreg s4  }
0xaa: {  	[dreg:$0x4] =	wrdreg $0xC0  }
0xab: {  	_ =	task [dreg:s6], $0x5FFFF  }
0xac: {  	[dreg:$0x1] =	wrdreg $0xFFFFFFFF  }
0xad: {  	[dreg:$0x0] =	wrdreg $0x60  }
0xae: {  	[dreg:$0x2] =	wrdreg s24  }
0xaf: {  	[dreg:$0x3] =	wrdreg $0x90000  }
0xb0: {  	[dreg:$0x4] =	wrdreg $0x9  }
0xb1: {  	_ =	task.clear_ibuf [dreg:s6], $0x5FFFF;
	_ =	strace $0x90000049  }
0xb2: {  	s29 =	simm.s32 $0x9;
	_ =	strace $0x8000004B  }
0xb3: {  	_ =	swait.ge [sflag:s29], $0x1  }
0xb4: {  	[sflag:s29] =	ssyncadd.s32 $0xFFFFFFFF  }
0xb5: {  	_ =	strace $0x9000004B  }
0xb6: {  	_ =	sfence  }
0xb7: {  	s30 =	sld [smem:$0x0];
	_ =	sdelay $0x2  }
0xb8: {  	s31 =	sshll.u32 s1, $0xD;
	s1 =	sshrl.u32 s1, $0x2  }
0xb9: {  	s3 =	sand.u32 $0x4000, s31;
	s1 =	sadd.s32 s1, s30  }
0xba: {  	s0 =	sor.u32 s3, s0;
	s1 =	sshll.u32 s1, $0x11  }
0xbb: {  	s0 =	sor.u32 s1, s0  }
0xbc: {  	s0 =	sadd.s32 $0x8F2B, s0  }
0xbd: {  	[sflag:s0] =	ssyncadd.remote.s32 $0x1  }
0xbe: {  	_ =	sfence.sel $0xFFFF  }
0xbf: {  	[dreg:$0x0] =	wrdreg $0xFFFFFFFF;
	(pc) =	sbr.abs _section_cstart, $3  }
0xc0: {  	[dreg:$0x1] =	wrdreg $0xFFFFFFFF  }
0xc1: {  	_ =	task.clear_ibuf [dreg:s6], $0x2FFFF;
	_ =	strace $0x9FFFFFFF  }
0xc2: {  	(tm) =	ssettm $0x7FFFFFFF  }
0xc3: {  	_ =	shalt  }
tec
execute0_lowered:
.L_overlay_start_1:
0x0: {  	(tag) =	ssettag $0x1  }
0x1: {  	s0 =	rddreg [dreg:$0x0]  }
0x2: {  	s1 =	rddreg [dreg:$0x1]  }
0x3: {  	s2 =	srdreg.scid;
	s3 =	simm.s32 $0x0;
	s10 =	stileid.u32  }
0x4: {  	s28 =	simm.s32 $0xC0;
	s2 =	sand.u32 $0x1, s2;
	s7 =	smul.u32 $0x13C00, s10  }
0x5: {  	s29 =	simm.s32 $0x7000;
	s30 =	simm.s32 $0x1;
	s6 =	smul.u32 $0x13C000, s2  }
0x6: {  	s31 =	simm.s32 $0x2;
	s11 =	simm.s32 $0xFC0;
	s8 =	smul.u32 $0x4F000, s10  }
0x7: {  	[smem:$0x7FF] =	sst s3;
	s4 =	sadd.s32 $0x16000, s0;
	s7 =	sadd.s32 s7, s6  }
0x8: {  	s5 =	sadd.s32 $0xC000, s0;
	s8 =	sshrl.u32 s8, $0x2;
	s7 =	sshrl.u32 s7, $0x3  }
0x9: {  	s6 =	sadd.s32 $0x2000, s0;
	s0 =	sadd.s32 s7, s0;
	s7 =	sadd.s32 s8, s1  }
0xa: {  	s10 =	sshll.u32 s10, $0x1;
	_ =	strace $0x8000004A;
	s8 =	sadd.s32 $0x2000, s7  }
0xb: {  	s9 =	ssub.s32 $0x2, s2;
	s19 =	sadd.s32 $0x4000, s7;
	[dreg:$0x3] =	wrdreg s8  }
0xc: {  	s2 =	sor.u32 s2, s10;
	s20 =	sadd.s32 $0x6000, s7;
	[dreg:$0x4] =	wrdreg s19  }
0xd: {  	s10 =	simm.s32 $0xF80;
	s21 =	sadd.s32 $0x8000, s7;
	[dreg:$0x5] =	wrdreg s20  }
0xe: {  	s18 =	sshrl.u32 s9, $0x1;
	s22 =	sadd.s32 $0xA000, s7;
	[dreg:$0x6] =	wrdreg s21  }
0xf: {  	s17 =	smul.u32 $0x2800, s2;
	s23 =	sadd.s32 $0xC000, s7;
	[dreg:$0x7] =	wrdreg s22  }
0x10: {  	s2 =	simm.s32 $0x4;
	s24 =	sadd.s32 $0xE000, s7;
	[dreg:$0x8] =	wrdreg s23  }
0x11: {  	s9 =	ssub.s32 s9, s18;
	s25 =	sadd.s32 $0x10000, s7;
	[dreg:$0x9] =	wrdreg s24  }
0x12: {  	s26 =	sadd.s32 $0x12000, s7;
	s18 =	sadd.s32 $0x3D200, s0;
	[dreg:$0xa] =	wrdreg s25  }
0x13: {  	s0 =	simm.s32 $0x3;
	[dreg:$0xb] =	wrdreg s26;
	s19 =	smax.u32 s9, $0x1  }
0x14: {  	s20 =	simm.s32 $0x1000;
	s21 =	simm.s32 $0x5;
	s22 =	simm.s32 $0x800  }
0x15: {  	s23 =	simm.s32 $0x40;
	s24 =	simm.s32 $0x3000;
	s25 =	simm.s32 $0x80  }
0x16: {  	v0 =	vimm.f32 $0.0e+00;
	s26 =	simm.s32 $0x5000;
	s8 =	simm.s32 $0xF00;
	s9 =	simm.s32 $0xF40  }
.LBB2_1:
0x17: {  	s12 =	simm.s32 $0x0;
	s13 =	simm.s32 $0x200  }
.LBB2_2:
0x18: {  	p0 =	sne.s32 s13, $0x7E00;
	[tilespmem:s12+$0x1070] =	vst v0  }
0x19: {  	[tilespmem:s12+$0x1000] =	vst v0  }
0x1a: {  	[tilespmem:s12+$0x1010] =	vst v0  }
.Ltmp0:
0x1b: {  	[tilespmem:s12+$0x1020] =	vst v0;
	(pc) =	sbr.rel @p0 .LBB2_2-.Ltmp0, $4  }
0x1c: {  	[tilespmem:s12+$0x1030] =	vst v0  }
0x1d: {  	[tilespmem:s12+$0x1040] =	vst v0  }
0x1e: {  	[tilespmem:s12+$0x1050] =	vst v0  }
0x1f: {  	[tilespmem:s12+$0x1060] =	vst v0;
	s12 =	sshra.s32 s13, $0x2;
	s13 =	sadd.s32 $0x200, s13  }
0x20: {  	[tilespmem:s12+$0x1070] =	vst v0  }
0x21: {  	[tilespmem:s12+$0x1000] =	vst v0  }
0x22: {  	[tilespmem:s12+$0x1010] =	vst v0  }
0x23: {  	[tilespmem:s12+$0x1020] =	vst v0  }
0x24: {  	[tilespmem:s12+$0x1030] =	vst v0  }
0x25: {  	[tilespmem:s12+$0x1040] =	vst v0  }
0x26: {  	[tilespmem:s12+$0x1050] =	vst v0  }
0x27: {  	[tilespmem:s12+$0x1060] =	vst v0  }
0x28: {  	[spmem:s7] =	stream.linear.scatter [tilespmem:s20], [sflag:$0x5], $0x2000, $0x38;
	[tilespmem:$0x1CC00] =	vst v63  }
0x29: {  	_ =	swait.ge [sflag:s21], $0x2000  }
0x2a: {  	[sflag:s21] =	ssyncset.done $0x0  }
0x2b: {  	s16 =	rddreg [dreg:$0x3];
	[sflag:s21] =	ssyncadd.s32 $0xFFFFE000  }
0x2c: {  	[spmem:s16] =	stream.linear.scatter [tilespmem:s20], [sflag:$0x5], $0x2000, $0x38;
	[tilespmem:$0x1CC00] =	vst v63  }
0x2d: {  	_ =	swait.ge [sflag:s21], $0x2000  }
0x2e: {  	[sflag:s21] =	ssyncset.done $0x0  }
0x2f: {  	s13 =	rddreg [dreg:$0x4];
	[sflag:s21] =	ssyncadd.s32 $0xFFFFE000  }
0x30: {  	[spmem:s13] =	stream.linear.scatter [tilespmem:s20], [sflag:$0x5], $0x2000, $0x38;
	[tilespmem:$0x1CC00] =	vst v63  }
0x31: {  	_ =	swait.ge [sflag:s21], $0x2000  }
0x32: {  	[sflag:s21] =	ssyncset.done $0x0  }
0x33: {  	s14 =	rddreg [dreg:$0x5];
	[sflag:s21] =	ssyncadd.s32 $0xFFFFE000  }
0x34: {  	[spmem:s14] =	stream.linear.scatter [tilespmem:s20], [sflag:$0x5], $0x2000, $0x38;
	[tilespmem:$0x1CC00] =	vst v63  }
0x35: {  	_ =	swait.ge [sflag:s21], $0x2000  }
0x36: {  	[sflag:s21] =	ssyncset.done $0x0  }
0x37: {  	s15 =	rddreg [dreg:$0x6];
	[sflag:s21] =	ssyncadd.s32 $0xFFFFE000  }
0x38: {  	[spmem:s15] =	stream.linear.scatter [tilespmem:s20], [sflag:$0x5], $0x2000, $0x38;
	[tilespmem:$0x1CC00] =	vst v63  }
0x39: {  	_ =	swait.ge [sflag:s21], $0x2000  }
0x3a: {  	[sflag:s21] =	ssyncset.done $0x0  }
0x3b: {  	s16 =	rddreg [dreg:$0x7];
	[sflag:s21] =	ssyncadd.s32 $0xFFFFE000  }
0x3c: {  	[spmem:s16] =	stream.linear.scatter [tilespmem:s20], [sflag:$0x5], $0x2000, $0x38;
	[tilespmem:$0x1CC00] =	vst v63  }
0x3d: {  	_ =	swait.ge [sflag:s21], $0x2000  }
0x3e: {  	[sflag:s21] =	ssyncset.done $0x0  }
0x3f: {  	s13 =	rddreg [dreg:$0x8];
	[sflag:s21] =	ssyncadd.s32 $0xFFFFE000  }
0x40: {  	[spmem:s13] =	stream.linear.scatter [tilespmem:s20], [sflag:$0x5], $0x2000, $0x38;
	[tilespmem:$0x1CC00] =	vst v63  }
0x41: {  	_ =	swait.ge [sflag:s21], $0x2000  }
0x42: {  	[sflag:s21] =	ssyncset.done $0x0  }
0x43: {  	s14 =	rddreg [dreg:$0x9];
	[sflag:s21] =	ssyncadd.s32 $0xFFFFE000  }
0x44: {  	[spmem:s14] =	stream.linear.scatter [tilespmem:s20], [sflag:$0x5], $0x2000, $0x38;
	[tilespmem:$0x1CC00] =	vst v63  }
0x45: {  	_ =	swait.ge [sflag:s21], $0x2000  }
0x46: {  	[sflag:s21] =	ssyncset.done $0x0  }
0x47: {  	s15 =	rddreg [dreg:$0xa];
	[sflag:s21] =	ssyncadd.s32 $0xFFFFE000  }
0x48: {  	[spmem:s15] =	stream.linear.scatter [tilespmem:s20], [sflag:$0x5], $0x2000, $0x38;
	[tilespmem:$0x1CC00] =	vst v63  }
0x49: {  	_ =	swait.ge [sflag:s21], $0x2000  }
0x4a: {  	[sflag:s21] =	ssyncset.done $0x0  }
0x4b: {  	s16 =	rddreg [dreg:$0xb];
	[sflag:s21] =	ssyncadd.s32 $0xFFFFE000  }
0x4c: {  	[spmem:s16] =	stream.linear.scatter [tilespmem:s20], [sflag:$0x5], $0x1C00, $0x38;
	[tilespmem:$0x1CC00] =	vst v63  }
0x4d: {  	_ =	swait.ge [sflag:s21], $0x1C00  }
0x4e: {  	[sflag:s21] =	ssyncset.done $0x0  }
0x4f: {  	[sflag:s21] =	ssyncadd.s32 $0xFFFFE400  }
0x50: {  	s12 =	simm.s32 $0x0;
	s13 =	simm.s32 $0x0;
	[bflag:$0x0] =	sbarrier.arrive $0xFFFF  }
.LBB2_4:
0x51: {  	s14 =	sshll.u32 s13, $0xB  }
0x52: {  	s14 =	sadd.s32 s17, s14  }
0x53: {  	s14 =	sshrl.u32 s14, $0x3  }
0x54: {  	s15 =	sadd.s32 s5, s14  }
0x55: {  	[tilespmem:s12], [sflag:$0x5] =	stream.linear.gather [hbm4b:s15+s12], $0x800, $0x38;
	[tilespmem:$0x1CC00] =	vst v63  }
0x56: {  	_ =	swait.ge [sflag:s21], $0x800  }
0x57: {  	[sflag:s21] =	ssyncset.done $0x0  }
0x58: {  	s14 =	sadd.s32 s6, s14;
	[sflag:s21] =	ssyncadd.s32 $0xFFFFF800  }
0x59: {  	[tilespmem:s22], [sflag:$0x5] =	stream.linear.gather [hbm4b:s14+s12], $0x800, $0x38;
	[tilespmem:$0x1CC00] =	vst v63  }
0x5a: {  	_ =	swait.ge [sflag:s21], $0x800  }
0x5b: {  	[sflag:s21] =	ssyncset.done $0x0  }
0x5c: {  	[sflag:s21] =	ssyncadd.s32 $0xFFFFF800  }
0x5d: {  	[tilespmem:s20], [sflag:$0x1] =	stream.indirect.gather [hbm4b:s4+s23], $0x80, s12, s23, $0xb8;
	[tilespmem:$0x1CC00] =	vst v63  }
0x5e: {  	_ = 	snop  }
0x5f: {  	[tilespmem:s24], [sflag:$0x2] =	stream.indirect.gather [hbm4b:s4+s23], $0x80, s23, s23, $0xb8;
	[tilespmem:$0x1CC00] =	vst v63  }
0x60: {  	_ = 	snop  }
0x61: {  	[tilespmem:s26], [sflag:$0x3] =	stream.indirect.gather [hbm4b:s4+s23], $0x80, s25, s23, $0xb8;
	[tilespmem:$0x1CC00] =	vst v63  }
0x62: {  	_ = 	snop  }
0x63: {  	[tilespmem:s29], [sflag:$0x4] =	stream.indirect.gather [hbm4b:s4+s23], $0x80, s28, s23, $0xb8;
	[tilespmem:$0x1CC00] =	vst v63  }
0x64: {  	_ =	swait.ge [sflag:s30], $0x2000  }
0x65: {  	[sflag:s30] =	ssyncset.done $0x0  }
0x66: {  	s16 =	simm.s32 $0x800;
	[sflag:s30] =	ssyncadd.s32 $0xFFFFE000  }
0x67: {  	[spmem:s1] =	stream.indirect.scatter.add.f32 [tilespmem:s20], [sflag:$0x5], $0x80, s16, s23, $0xb8;
	[tilespmem:$0x1CC00] =	vst v63  }
0x68: {  	_ =	swait.ge [sflag:s21], $0x2000  }
0x69: {  	[sflag:s21] =	ssyncset.done $0x0  }
0x6a: {  	s15 =	simm.s32 $0x100;
	[sflag:s21] =	ssyncadd.s32 $0xFFFFE000  }
0x6b: {  	[tilespmem:s20], [sflag:$0x1] =	stream.indirect.gather [hbm4b:s4+s23], $0x80, s15, s23, $0xb8;
	[tilespmem:$0x1CC00] =	vst v63  }
0x6c: {  	_ =	swait.ge [sflag:s31], $0x2000  }
0x6d: {  	[sflag:s31] =	ssyncset.done $0x0  }
0x6e: {  	s16 =	simm.s32 $0x840;
	[sflag:s31] =	ssyncadd.s32 $0xFFFFE000  }
0x6f: {  	[spmem:s1] =	stream.indirect.scatter.add.f32 [tilespmem:s24], [sflag:$0x5], $0x80, s16, s23, $0xb8;
	[tilespmem:$0x1CC00] =	vst v63  }
0x70: {  	_ =	swait.ge [sflag:s21], $0x2000  }
0x71: {  	[sflag:s21] =	ssyncset.done $0x0  }
0x72: {  	s15 =	simm.s32 $0x140;
	[sflag:s21] =	ssyncadd.s32 $0xFFFFE000  }
0x73: {  	[tilespmem:s24], [sflag:$0x2] =	stream.indirect.gather [hbm4b:s4+s23], $0x80, s15, s23, $0xb8;
	[tilespmem:$0x1CC00] =	vst v63  }
0x74: {  	_ =	swait.ge [sflag:s0], $0x2000  }
0x75: {  	[sflag:s0] =	ssyncset.done $0x0  }
0x76: {  	s16 =	simm.s32 $0x880;
	[sflag:s0] =	ssyncadd.s32 $0xFFFFE000  }
0x77: {  	[spmem:s1] =	stream.indirect.scatter.add.f32 [tilespmem:s26], [sflag:$0x5], $0x80, s16, s23, $0xb8;
	[tilespmem:$0x1CC00] =	vst v63  }
0x78: {  	_ =	swait.ge [sflag:s21], $0x2000  }
0x79: {  	[sflag:s21] =	ssyncset.done $0x0  }
0x7a: {  	s15 =	simm.s32 $0x180;
	[sflag:s21] =	ssyncadd.s32 $0xFFFFE000  }
0x7b: {  	[tilespmem:s26], [sflag:$0x3] =	stream.indirect.gather [hbm4b:s4+s23], $0x80, s15, s23, $0xb8;
	[tilespmem:$0x1CC00] =	vst v63  }
0x7c: {  	_ =	swait.ge [sflag:s2], $0x2000  }
0x7d: {  	[sflag:s2] =	ssyncset.done $0x0  }
0x7e: {  	s16 =	simm.s32 $0x8C0;
	[sflag:s2] =	ssyncadd.s32 $0xFFFFE000  }
0x7f: {  	[spmem:s1] =	stream.indirect.scatter.add.f32 [tilespmem:s29], [sflag:$0x5], $0x80, s16, s23, $0xb8;
	[tilespmem:$0x1CC00] =	vst v63  }
0x80: {  	_ =	swait.ge [sflag:s21], $0x2000  }
0x81: {  	[sflag:s21] =	ssyncset.done $0x0  }
0x82: {  	s14 =	simm.s32 $0x400;
	s15 =	simm.s32 $0x1C0;
	[sflag:s21] =	ssyncadd.s32 $0xFFFFE000  }
.LBB2_5:
0x83: {  	[tilespmem:s29], [sflag:$0x4] =	stream.indirect.gather [hbm4b:s4+s23], $0x80, s15, s23, $0xb8;
	[tilespmem:$0x1CC00] =	vst v63  }
0x84: {  	s15 =	smov.u32 s14  }
0x85: {  	p0 =	sne.s32 s14, $0x1800;
	s14 =	sadd.s32 $0x400, s14;
	_ =	swait.ge [sflag:s30], $0x2000  }
0x86: {  	s15 =	sshra.s32 s15, $0x2;
	[sflag:s30] =	ssyncset.done $0x0  }
0x87: {  	s16 =	sadd.s32 $0x800, s15;
	[sflag:s30] =	ssyncadd.s32 $0xFFFFE000  }
0x88: {  	[spmem:s1] =	stream.indirect.scatter.add.f32 [tilespmem:s20], [sflag:$0x5], $0x80, s16, s23, $0xb8;
	[tilespmem:$0x1CC00] =	vst v63  }
0x89: {  	_ =	swait.ge [sflag:s21], $0x2000  }
0x8a: {  	[sflag:s21] =	ssyncset.done $0x0  }
0x8b: {  	s16 =	sadd.s32 $0x100, s15;
	[sflag:s21] =	ssyncadd.s32 $0xFFFFE000  }
0x8c: {  	[tilespmem:s20], [sflag:$0x1] =	stream.indirect.gather [hbm4b:s4+s23], $0x80, s16, s23, $0xb8;
	[tilespmem:$0x1CC00] =	vst v63  }
0x8d: {  	_ =	swait.ge [sflag:s31], $0x2000  }
0x8e: {  	[sflag:s31] =	ssyncset.done $0x0  }
0x8f: {  	s16 =	sadd.s32 $0x840, s15;
	[sflag:s31] =	ssyncadd.s32 $0xFFFFE000  }
0x90: {  	[spmem:s1] =	stream.indirect.scatter.add.f32 [tilespmem:s24], [sflag:$0x5], $0x80, s16, s23, $0xb8;
	[tilespmem:$0x1CC00] =	vst v63  }
0x91: {  	_ =	swait.ge [sflag:s21], $0x2000  }
0x92: {  	[sflag:s21] =	ssyncset.done $0x0  }
0x93: {  	s16 =	sadd.s32 $0x140, s15;
	[sflag:s21] =	ssyncadd.s32 $0xFFFFE000  }
0x94: {  	[tilespmem:s24], [sflag:$0x2] =	stream.indirect.gather [hbm4b:s4+s23], $0x80, s16, s23, $0xb8;
	[tilespmem:$0x1CC00] =	vst v63  }
0x95: {  	_ =	swait.ge [sflag:s0], $0x2000  }
0x96: {  	[sflag:s0] =	ssyncset.done $0x0  }
0x97: {  	s16 =	sadd.s32 $0x880, s15;
	[sflag:s0] =	ssyncadd.s32 $0xFFFFE000  }
0x98: {  	[spmem:s1] =	stream.indirect.scatter.add.f32 [tilespmem:s26], [sflag:$0x5], $0x80, s16, s23, $0xb8;
	[tilespmem:$0x1CC00] =	vst v63  }
0x99: {  	_ =	swait.ge [sflag:s21], $0x2000  }
0x9a: {  	[sflag:s21] =	ssyncset.done $0x0  }
0x9b: {  	s16 =	sadd.s32 $0x180, s15;
	[sflag:s21] =	ssyncadd.s32 $0xFFFFE000  }
0x9c: {  	[tilespmem:s26], [sflag:$0x3] =	stream.indirect.gather [hbm4b:s4+s23], $0x80, s16, s23, $0xb8;
	[tilespmem:$0x1CC00] =	vst v63  }
0x9d: {  	_ =	swait.ge [sflag:s2], $0x2000  }
0x9e: {  	[sflag:s2] =	ssyncset.done $0x0  }
.Ltmp1:
0x9f: {  	s16 =	sadd.s32 $0x8C0, s15;
	[sflag:s2] =	ssyncadd.s32 $0xFFFFE000;
	(pc) =	sbr.rel @p0 .LBB2_5-.Ltmp1, $4  }
0xa0: {  	[spmem:s1] =	stream.indirect.scatter.add.f32 [tilespmem:s29], [sflag:$0x5], $0x80, s16, s23, $0xb8;
	[tilespmem:$0x1CC00] =	vst v63  }
0xa1: {  	_ =	swait.ge [sflag:s21], $0x2000  }
0xa2: {  	[sflag:s21] =	ssyncset.done $0x0  }
0xa3: {  	s15 =	sadd.s32 $0x1C0, s15;
	[sflag:s21] =	ssyncadd.s32 $0xFFFFE000  }
0xa4: {  	[tilespmem:s29], [sflag:$0x4] =	stream.indirect.gather [hbm4b:s4+s23], $0x80, s15, s23, $0xb8;
	[tilespmem:$0x1CC00] =	vst v63  }
0xa5: {  	_ =	swait.ge [sflag:s30], $0x2000  }
0xa6: {  	[sflag:s30] =	ssyncset.done $0x0  }
0xa7: {  	[sflag:s30] =	ssyncadd.s32 $0xFFFFE000  }
0xa8: {  	[spmem:s1] =	stream.indirect.scatter.add.f32 [tilespmem:s20], [sflag:$0x5], $0x80, s8, s23, $0xb8;
	[tilespmem:$0x1CC00] =	vst v63  }
0xa9: {  	_ =	swait.ge [sflag:s21], $0x2000  }
0xaa: {  	[sflag:s21] =	ssyncset.done $0x0  }
0xab: {  	[sflag:s21] =	ssyncadd.s32 $0xFFFFE000  }
0xac: {  	_ =	swait.ge [sflag:s31], $0x2000  }
0xad: {  	[sflag:s31] =	ssyncset.done $0x0  }
0xae: {  	[sflag:s31] =	ssyncadd.s32 $0xFFFFE000  }
0xaf: {  	[spmem:s1] =	stream.indirect.scatter.add.f32 [tilespmem:s24], [sflag:$0x5], $0x80, s9, s23, $0xb8;
	[tilespmem:$0x1CC00] =	vst v63  }
0xb0: {  	_ =	swait.ge [sflag:s21], $0x2000  }
0xb1: {  	[sflag:s21] =	ssyncset.done $0x0  }
0xb2: {  	[sflag:s21] =	ssyncadd.s32 $0xFFFFE000  }
0xb3: {  	_ =	swait.ge [sflag:s0], $0x2000  }
0xb4: {  	[sflag:s0] =	ssyncset.done $0x0  }
0xb5: {  	[sflag:s0] =	ssyncadd.s32 $0xFFFFE000  }
0xb6: {  	[spmem:s1] =	stream.indirect.scatter.add.f32 [tilespmem:s26], [sflag:$0x5], $0x80, s10, s23, $0xb8;
	[tilespmem:$0x1CC00] =	vst v63  }
0xb7: {  	_ =	swait.ge [sflag:s21], $0x2000  }
0xb8: {  	[sflag:s21] =	ssyncset.done $0x0  }
0xb9: {  	[sflag:s21] =	ssyncadd.s32 $0xFFFFE000  }
0xba: {  	s13 =	sadd.s32 $0x1, s13;
	_ =	swait.ge [sflag:s2], $0x2000  }
0xbb: {  	p0 =	sne.s32 s13, $0x5;
	[sflag:s2] =	ssyncset.done $0x0  }
.Ltmp2:
0xbc: {  	[sflag:s2] =	ssyncadd.s32 $0xFFFFE000;
	(pc) =	sbr.rel @p0 .LBB2_4-.Ltmp2, $4  }
0xbd: {  	[spmem:s1] =	stream.indirect.scatter.add.f32 [tilespmem:s29], [sflag:$0x5], $0x80, s11, s23, $0xb8;
	[tilespmem:$0x1CC00] =	vst v63  }
0xbe: {  	_ =	swait.ge [sflag:s21], $0x2000  }
0xbf: {  	[sflag:s21] =	ssyncset.done $0x0  }
0xc0: {  	[sflag:s21] =	ssyncadd.s32 $0xFFFFE000  }
0xc1: {  	s12 =	stileid.u32;
	s3 =	sadd.s32 $0x1, s3  }
0xc2: {  	[bflag:$0x0] =	sbarrier.arrive $0xFFFF;
	s12 =	sshll.u32 s12, $0x6;
	p0 =	sne.s32 s3, s19  }
.Ltmp3:
0xc3: {  	s13 =	sshrl.u32 s7, $0x3;
	s12 =	sor.u32 $0x1C05, s12;
	(pc) =	sbr.rel @p0 .LBB2_1-.Ltmp3, $4  }
0xc4: {  	[hbm:s18], [sflag:s12] =	dma.local [spmem:s13], $0x2780  }
0xc5: {  	_ =	swait.ge [sflag:s21], $0x2780  }
0xc6: {  	[sflag:s21] =	ssyncset.done $0x0  }
0xc7: {  	[sflag:s21] =	ssyncadd.s32 $0xFFFFD880  }
0xc8: {  	_ =	sfence.sel $0x180000  }
0xc9: {  	[bflag:$0x0] =	sbarrier.arrive $0xFFFF  }
0xca: {  	_ =	strace $0x9000004A  }
0xcb: {  	s0 =	stileid.u32;
	[bflag:$0x2] =	sbarrier.arrive $0xFFFF  }
0xcc: {  	p0 =	sne.s32 s0, $0x0;
	s0 =	rddreg [dreg:$0x2]  }
0xcd: {  	s0 =	sadd.s32 @!p0 $0x100000, s0  }
0xce: {  	[sflag:s0] =	ssyncadd.tile.s32 @!p0 $0x1;
	_ =	shalt  }
.Lfunc_end2:
_tile_overlayer_lowered:
.L_overlay_start_2:
0xcf: {  	(tag) =	ssettag $0x2  }
0xd0: {  	s0 =	rddreg [dreg:$0x0];
	s2 =	stileid.u32  }
0xd1: {  	s1 =	rddreg [dreg:$0x1];
	p0 =	sne.s32 s2, $0x0  }
0xd2: {  	s3 =	rddreg [dreg:$0x2];
	[bflag:$0x3] =	sbarrier.arrive $0xFFFF;
	s2 =	simm.s32 @!p0 $0x1C05  }
0xd3: {  	[timem:s3], [sflag:s2] =	dma.local @!p0 [hbm:s0], s1  }
0xd4: {  	s0 =	simm.s32 @!p0 $0x5  }
0xd5: {  	_ =	swait.ge @!p0 [sflag:s0], s1  }
0xd6: {  	s1 =	ssub.s32 @!p0 $0x0, s1;
	[sflag:s0] =	ssyncset.done @!p0 $0x0  }
0xd7: {  	[sflag:s0] =	ssyncadd.s32 @!p0 s1  }
0xd8: {  	[bflag:$0x3] =	sbarrier.arrive $0xFFFF  }
0xd9: {  	_ =	shalt  }

// kernel: kernel.7.cloned.1.call-start
scs
__scs_entry_jumppad:
0x0: {  	(pc) =	sbr.rel $0x88, $3  }
0x1: {  	(tag) =	ssettag $0x0;
	lr =	simm.s32 $0x1  }
0x2: {  	[smem:$0x3F93] =	sst lr;
	_ =	strace $0xD0000000  }
0x3: {  	_ = 	snop  }
0x4: {  	_ = 	snop  }
0x5: {  	_ = 	snop  }
0x6: {  	_ = 	snop  }
0x7: {  	_ = 	snop  }
__scs_overlays_trampoline_lowered:
0x8: {  	[smem:$0x3FA2] =	sst s0  }
0x9: {  	[smem:$0x3FA3] =	sst s1  }
0xa: {  	[smem:$0x3FA4] =	sst s2  }
0xb: {  	[smem:$0x3FA5] =	sst s3  }
0xc: {  	[smem:$0x3FA6] =	sst s4  }
0xd: {  	[smem:$0x3FA7] =	sst s5  }
0xe: {  	[smem:$0x3FA8] =	sst s6  }
0xf: {  	[smem:$0x3FA9] =	sst s7  }
0x10: {  	[smem:$0x3FAA] =	sst s8  }
0x11: {  	[smem:$0x3FAB] =	sst s9;
	s0 =	simm.s32 @!p0 $0x0  }
0x12: {  	s1 =	sld [smem:$0x3F91];
	s0 =	simm.s32 @p0 $0x1  }
0x13: {  	[smem:$0x3FAC] =	sst s0;
	s0 =	simm.s32 @!p1 $0x0  }
0x14: {  	s2 =	sld [smem:$0x3F90];
	s0 =	simm.s32 @p1 $0x1  }
0x15: {  	[smem:$0x3FAD] =	sst s0;
	s0 =	simm.s32 @!p2 $0x0  }
0x16: {  	s3 =	sld [smem:$0x3FDB];
	s0 =	simm.s32 @p2 $0x1  }
0x17: {  	s4 =	simm.s32 $0x1BF5;
	[smem:$0x3FAF] =	sst s0  }
0x18: {  	s0 =	sld [smem:$0x3F92];
	_ =	swait.ge [sflag:s4], $0x0  }
0x19: {  	s7 =	sld [smem:$0x3F93]  }
0x1a: {  	s8 =	sadd.s32 $0xFFFFE003, lr  }
0x1b: {  	s9 =	sadd.s32 $0xFFFFFEF7, lr;
	s5 =	simm.s32 $0xFFFFFFFF;
	p2 =	slt.u32 s8, $0xFFFFF086  }
0x1c: {  	p1 =	slt.u32 s9, $0xF7A;
	s5 =	simm.s32 @!p2 $0x0  }
0x1d: {  	s5 =	simm.s32 @p1 $0x1;
	p0 =	seq.s32 s7, s2  }
0x1e: {  	s7 =	smul.u32 @!p0 $0xF7A, s2;
	p2 =	seq.s32 @!p0 s5, $0x0  }
0x1f: {  	s9 =	smul.u32 $0xF7A, s1;
	s8 =	simm.s32 @!p0 $0x1BF5;
	p2 =	por !p2, p0  }
0x20: {  	[sflag:s8] =	ssyncset.s32 @!p0 $0xFFFFF086;
	s6 =	sadd.s32 @!p0 s3, s7;
	s7 =	simm.s32 @!p0 $0x108  }
0x21: {  	s3 =	sadd.s32 s3, s9;
	s6 =	sadd.s32 @!p0 $0x88, s6;
	s7 =	simm.s32 @p2 $0x1082  }
0x22: {  	[simem:s7], [sflag:s8] =	dma.local @!p0 [hbm:s6], $0xF7A  }
0x23: {  	s9 =	sor.u32 $0xD0000000, s2;
	s6 =	simm.s32 $0x108;
	_ =	swait.ge @!p0 [sflag:s8], $0x0  }
0x24: {  	s3 =	sadd.s32 $0x88, s3;
	s6 =	simm.s32 @!p1 $0x1082;
	[sflag:s4] =	ssyncset.s32 $0xFFFFF086  }
0x25: {  	[simem:s6], [sflag:s4] =	dma.local [hbm:s3], $0xF7A  }
0x26: {  	[smem:$0x3F93] =	sst s1;
	(tag) =	ssettag s2;
	_ =	strace s9  }
0x27: {  	s1 =	sld [smem:$0x3FA3]  }
0x28: {  	s2 =	sld [smem:$0x3FA4]  }
0x29: {  	s4 =	sld [smem:$0x3FA6]  }
0x2a: {  	p0 =	seq.s32 s5, $0x0;
	s5 =	sld [smem:$0x3FA7]  }
0x2b: {  	s6 =	sld [smem:$0x3FA8]  }
0x2c: {  	s7 =	sld [smem:$0x3FA9]  }
0x2d: {  	s3 =	simm.s32 $0x108;
	s8 =	sld [smem:$0x3FAA]  }
0x2e: {  	s3 =	simm.s32 @!p0 $0x1082;
	s9 =	sld [smem:$0x3FAB]  }
0x2f: {  	lr =	sadd.s32 s0, s3;
	s0 =	sld [smem:$0x3FA2]  }
0x30: {  	s3 =	sld [smem:$0x3FA5]  }
0x31: {  	[smem:$0x3FAE] =	sst s10  }
0x32: {  	s10 =	sld [smem:$0x3FAC];
	_ =	sdelay $0x3  }
0x33: {  	p0 =	seq.s32 s10, $0x1;
	s10 =	sld [smem:$0x3FAE];
	_ =	sdelay $0x3  }
0x34: {  	[smem:$0x3FAE] =	sst s10  }
0x35: {  	s10 =	sld [smem:$0x3FAD];
	_ =	sdelay $0x3  }
0x36: {  	p1 =	seq.s32 s10, $0x1;
	s10 =	sld [smem:$0x3FAE];
	_ =	sdelay $0x3  }
0x37: {  	[smem:$0x3FAE] =	sst s10  }
0x38: {  	s10 =	sld [smem:$0x3FAF]  }
0x39: {  	_ = 	snop;
	(pc) =	sbr.ind lr, $3  }
0x3a: {  	_ = 	snop  }
0x3b: {  	_ = 	snop  }
0x3c: {  	p2 =	seq.s32 s10, $0x1;
	s10 =	sld [smem:$0x3FAE]  }
0x3d: {  	_ =	shalt  }
0x3e: {  	_ =	shalt  }
0x3f: {  	_ =	shalt  }
0x40: {  	_ =	shalt  }
0x41: {  	_ =	shalt  }
0x42: {  	_ =	shalt  }
0x43: {  	_ =	shalt  }
0x44: {  	_ =	shalt  }
0x45: {  	_ =	shalt  }
0x46: {  	_ =	shalt  }
0x47: {  	_ =	shalt  }
0x48: {  	_ =	shalt  }
0x49: {  	_ =	shalt  }
0x4a: {  	_ =	shalt  }
0x4b: {  	_ =	shalt  }
0x4c: {  	_ =	shalt  }
0x4d: {  	_ =	shalt  }
0x4e: {  	_ =	shalt  }
0x4f: {  	_ =	shalt  }
0x50: {  	_ =	shalt  }
0x51: {  	_ =	shalt  }
0x52: {  	_ =	shalt  }
0x53: {  	_ =	shalt  }
0x54: {  	_ =	shalt  }
0x55: {  	_ =	shalt  }
0x56: {  	_ =	shalt  }
0x57: {  	_ =	shalt  }
0x58: {  	_ =	shalt  }
0x59: {  	_ =	shalt  }
0x5a: {  	_ =	shalt  }
0x5b: {  	_ =	shalt  }
0x5c: {  	_ =	shalt  }
0x5d: {  	_ =	shalt  }
0x5e: {  	_ =	shalt  }
0x5f: {  	_ =	shalt  }
0x60: {  	_ =	shalt  }
0x61: {  	_ =	shalt  }
0x62: {  	_ =	shalt  }
0x63: {  	_ =	shalt  }
0x64: {  	_ =	shalt  }
0x65: {  	_ =	shalt  }
0x66: {  	_ =	shalt  }
0x67: {  	_ =	shalt  }
0x68: {  	_ =	shalt  }
0x69: {  	_ =	shalt  }
0x6a: {  	_ =	shalt  }
0x6b: {  	_ =	shalt  }
0x6c: {  	_ =	shalt  }
0x6d: {  	_ =	shalt  }
0x6e: {  	_ =	shalt  }
0x6f: {  	_ =	shalt  }
0x70: {  	_ =	shalt  }
0x71: {  	_ =	shalt  }
0x72: {  	_ =	shalt  }
0x73: {  	_ =	shalt  }
0x74: {  	_ =	shalt  }
0x75: {  	_ =	shalt  }
0x76: {  	_ =	shalt  }
0x77: {  	_ =	shalt  }
0x78: {  	_ =	shalt  }
0x79: {  	_ =	shalt  }
0x7a: {  	_ =	shalt  }
0x7b: {  	_ =	shalt  }
0x7c: {  	_ =	shalt  }
0x7d: {  	_ =	shalt  }
0x7e: {  	_ =	shalt  }
0x7f: {  	_ =	shalt  }
0x80: {  	_ =	shalt  }
0x81: {  	_ =	shalt  }
0x82: {  	_ =	shalt  }
0x83: {  	_ =	shalt  }
0x84: {  	_ =	shalt  }
0x85: {  	_ =	shalt  }
0x86: {  	_ =	shalt  }
0x87: {  	_ =	shalt  }
.Lfunc_end0:
.L_simem_size_0:
called_computation_lowered:
.L_overlay_start_0:
0x88: {  	s2 =	sld [smem:$0x3FD9]  }
0x89: {  	s3 =	sld [smem:$0x3FFE];
	_ =	sdelay $0x1  }
0x8a: {  	s1 =	srdreg.scid  }
0x8b: {  	s0 =	sand.u32 $0x1, s1  }
0x8c: {  	s16 =	sshll.u32 s0, $0xA;
	s2 =	sadd.s32 s3, s2  }
0x8d: {  	s2 =	sadd.s32 s2, s16  }
0x8e: {  	[smem:$0x3FBA] =	sst s2  }
0x8f: {  	_ = 	snop  }
0x90: {  	(tm) =	ssettm $0x1  }
0x91: {  	s17 =	sld [smem:$0x3FFB];
	_ =	sdelay $0x3  }
0x92: {  	_ =	strace s17  }
0x93: {  	s2 =	sld [smem:$0x3FFC];
	_ =	sdelay $0x3  }
0x94: {  	_ =	strace s2  }
0x95: {  	s2 =	sld [smem:$0x3FFD];
	_ =	sdelay $0x3  }
0x96: {  	_ =	strace s2  }
0x97: {  	_ =	strace $0x8FFFFFFF  }
0x98: {  	s18 =	sld [smem:$0x3FDB];
	_ =	sdelay $0x1  }
0x99: {  	s19 =	simm.s32 $_scs_section_size  }
0x9a: {  	s4 =	simm.s32 $_size__tile_overlayer_lowered;
	s5 =	simm.s32 $_tile_overlayer_lowered  }
0x9b: {  	s22 =	simm.s32 $0x1BFF;
	s21 =	sshll.u32 s5, $0x1;
	s2 =	sadd.s32 s19, s18  }
0x9c: {  	s6 =	simm.s32 $0x0;
	s20 =	sshll.u32 s4, $0x1;
	s4 =	sadd.s32 s21, s2  }
0x9d: {  	[timem:s6], [sflag:s22] =	dma.local [hbm:s4], s20  }
0x9e: {  	_ =	swait.ge [sflag:s22], s20  }
0x9f: {  	s3 =	ssub.s32 $0x0, s20;
	[sflag:s22] =	ssyncset.done $0x0  }
0xa0: {  	[sflag:s22] =	ssyncadd.s32 s3;
	_ =	sdelay $0x1  }
0xa1: {  	s23 =	simm.s32 $0x1B8B  }
0xa2: {  	_ =	swait.ge [sflag:s23], $0x1  }
0xa3: {  	[sflag:s23] =	ssyncset.done $0x0  }
0xa4: {  	s25 =	simm.s32 $0x1B8E;
	s24 =	sld [smem:$0x3FFE];
	[sflag:s23] =	ssyncadd.s32 $0xFFFFFFFF  }
0xa5: {  	s26 =	simm.s32 $execute0_lowered;
	[smem:$0x3FD2] =	sst s25  }
0xa6: {  	s4 =	sshll.u32 s26, $0x1;
	_ =	strace $0x80000046;
	[dreg:$0x1] =	wrdreg $0xFFFFFFFF  }
0xa7: {  	s28 =	simm.s32 $_size_execute0_lowered;
	s2 =	sadd.s32 s2, s4;
	[dreg:$0x0] =	wrdreg $0x0  }
0xa8: {  	s4 =	sshll.u32 s28, $0x1;
	[dreg:$0x2] =	wrdreg s2  }
0xa9: {  	[dreg:$0x3] =	wrdreg s4  }
0xaa: {  	[dreg:$0x4] =	wrdreg $0xC0  }
0xab: {  	_ =	task [dreg:s6], $0x5FFFF  }
0xac: {  	[dreg:$0x1] =	wrdreg $0xFFFFFFFF  }
0xad: {  	[dreg:$0x0] =	wrdreg $0x60  }
0xae: {  	[dreg:$0x2] =	wrdreg s24  }
0xaf: {  	[dreg:$0x3] =	wrdreg $0x90000  }
0xb0: {  	[dreg:$0x4] =	wrdreg $0x9  }
0xb1: {  	_ =	task.clear_ibuf [dreg:s6], $0x5FFFF;
	_ =	strace $0x90000046  }
0xb2: {  	s29 =	simm.s32 $0x9;
	_ =	strace $0x80000048  }
0xb3: {  	_ =	swait.ge [sflag:s29], $0x1  }
0xb4: {  	[sflag:s29] =	ssyncadd.s32 $0xFFFFFFFF  }
0xb5: {  	_ =	strace $0x90000048  }
0xb6: {  	_ =	sfence  }
0xb7: {  	s30 =	sld [smem:$0x0];
	_ =	sdelay $0x2  }
0xb8: {  	s31 =	sshll.u32 s1, $0xD;
	s1 =	sshrl.u32 s1, $0x2  }
0xb9: {  	s3 =	sand.u32 $0x4000, s31;
	s1 =	sadd.s32 s1, s30  }
0xba: {  	s0 =	sor.u32 s3, s0;
	s1 =	sshll.u32 s1, $0x11  }
0xbb: {  	s0 =	sor.u32 s1, s0  }
0xbc: {  	s0 =	sadd.s32 $0x8F2B, s0  }
0xbd: {  	[sflag:s0] =	ssyncadd.remote.s32 $0x1  }
0xbe: {  	_ =	sfence.sel $0xFFFF  }
0xbf: {  	[dreg:$0x0] =	wrdreg $0xFFFFFFFF;
	(pc) =	sbr.abs _section_cstart, $3  }
0xc0: {  	[dreg:$0x1] =	wrdreg $0xFFFFFFFF  }
0xc1: {  	_ =	task.clear_ibuf [dreg:s6], $0x2FFFF;
	_ =	strace $0x9FFFFFFF  }
0xc2: {  	(tm) =	ssettm $0x7FFFFFFF  }
0xc3: {  	_ =	shalt  }
tec
execute0_lowered:
.L_overlay_start_1:
0x0: {  	(tag) =	ssettag $0x1  }
0x1: {  	s0 =	rddreg [dreg:$0x0]  }
0x2: {  	s1 =	rddreg [dreg:$0x1]  }
0x3: {  	s2 =	srdreg.scid;
	s3 =	simm.s32 $0x0;
	s10 =	stileid.u32  }
0x4: {  	s28 =	simm.s32 $0xC0;
	s2 =	sand.u32 $0x1, s2;
	s7 =	smul.u32 $0x13C00, s10  }
0x5: {  	s29 =	simm.s32 $0x7000;
	s30 =	simm.s32 $0x1;
	s6 =	smul.u32 $0x13C000, s2  }
0x6: {  	s31 =	simm.s32 $0x2;
	s11 =	simm.s32 $0xFC0;
	s8 =	smul.u32 $0x4F000, s10  }
0x7: {  	[smem:$0x7FF] =	sst s3;
	s4 =	sadd.s32 $0x16000, s0;
	s7 =	sadd.s32 s7, s6  }
0x8: {  	s5 =	sadd.s32 $0xC000, s0;
	s8 =	sshrl.u32 s8, $0x2;
	s7 =	sshrl.u32 s7, $0x3  }
0x9: {  	s6 =	sadd.s32 $0x2000, s0;
	s0 =	sadd.s32 s7, s0;
	s7 =	sadd.s32 s8, s1  }
0xa: {  	s10 =	sshll.u32 s10, $0x1;
	_ =	strace $0x80000047;
	s8 =	sadd.s32 $0x2000, s7  }
0xb: {  	s9 =	ssub.s32 $0x2, s2;
	s19 =	sadd.s32 $0x4000, s7;
	[dreg:$0x3] =	wrdreg s8  }
0xc: {  	s2 =	sor.u32 s2, s10;
	s20 =	sadd.s32 $0x6000, s7;
	[dreg:$0x4] =	wrdreg s19  }
0xd: {  	s10 =	simm.s32 $0xF80;
	s21 =	sadd.s32 $0x8000, s7;
	[dreg:$0x5] =	wrdreg s20  }
0xe: {  	s18 =	sshrl.u32 s9, $0x1;
	s22 =	sadd.s32 $0xA000, s7;
	[dreg:$0x6] =	wrdreg s21  }
0xf: {  	s17 =	smul.u32 $0x2800, s2;
	s23 =	sadd.s32 $0xC000, s7;
	[dreg:$0x7] =	wrdreg s22  }
0x10: {  	s2 =	simm.s32 $0x4;
	s24 =	sadd.s32 $0xE000, s7;
	[dreg:$0x8] =	wrdreg s23  }
0x11: {  	s9 =	ssub.s32 s9, s18;
	s25 =	sadd.s32 $0x10000, s7;
	[dreg:$0x9] =	wrdreg s24  }
0x12: {  	s26 =	sadd.s32 $0x12000, s7;
	s18 =	sadd.s32 $0x3D200, s0;
	[dreg:$0xa] =	wrdreg s25  }
0x13: {  	s0 =	simm.s32 $0x3;
	[dreg:$0xb] =	wrdreg s26;
	s19 =	smax.u32 s9, $0x1  }
0x14: {  	s20 =	simm.s32 $0x1000;
	s21 =	simm.s32 $0x5;
	s22 =	simm.s32 $0x800  }
0x15: {  	s23 =	simm.s32 $0x40;
	s24 =	simm.s32 $0x3000;
	s25 =	simm.s32 $0x80  }
0x16: {  	v0 =	vimm.f32 $0.0e+00;
	s26 =	simm.s32 $0x5000;
	s8 =	simm.s32 $0xF00;
	s9 =	simm.s32 $0xF40  }
.LBB2_1:
0x17: {  	s12 =	simm.s32 $0x0;
	s13 =	simm.s32 $0x200  }
.LBB2_2:
0x18: {  	p0 =	sne.s32 s13, $0x7E00;
	[tilespmem:s12+$0x1070] =	vst v0  }
0x19: {  	[tilespmem:s12+$0x1000] =	vst v0  }
0x1a: {  	[tilespmem:s12+$0x1010] =	vst v0  }
.Ltmp0:
0x1b: {  	[tilespmem:s12+$0x1020] =	vst v0;
	(pc) =	sbr.rel @p0 .LBB2_2-.Ltmp0, $4  }
0x1c: {  	[tilespmem:s12+$0x1030] =	vst v0  }
0x1d: {  	[tilespmem:s12+$0x1040] =	vst v0  }
0x1e: {  	[tilespmem:s12+$0x1050] =	vst v0  }
0x1f: {  	[tilespmem:s12+$0x1060] =	vst v0;
	s12 =	sshra.s32 s13, $0x2;
	s13 =	sadd.s32 $0x200, s13  }
0x20: {  	[tilespmem:s12+$0x1070] =	vst v0  }
0x21: {  	[tilespmem:s12+$0x1000] =	vst v0  }
0x22: {  	[tilespmem:s12+$0x1010] =	vst v0  }
0x23: {  	[tilespmem:s12+$0x1020] =	vst v0  }
0x24: {  	[tilespmem:s12+$0x1030] =	vst v0  }
0x25: {  	[tilespmem:s12+$0x1040] =	vst v0  }
0x26: {  	[tilespmem:s12+$0x1050] =	vst v0  }
0x27: {  	[tilespmem:s12+$0x1060] =	vst v0  }
0x28: {  	[spmem:s7] =	stream.linear.scatter [tilespmem:s20], [sflag:$0x5], $0x2000, $0x38;
	[tilespmem:$0x1CC00] =	vst v63  }
0x29: {  	_ =	swait.ge [sflag:s21], $0x2000  }
0x2a: {  	[sflag:s21] =	ssyncset.done $0x0  }
0x2b: {  	s16 =	rddreg [dreg:$0x3];
	[sflag:s21] =	ssyncadd.s32 $0xFFFFE000  }
0x2c: {  	[spmem:s16] =	stream.linear.scatter [tilespmem:s20], [sflag:$0x5], $0x2000, $0x38;
	[tilespmem:$0x1CC00] =	vst v63  }
0x2d: {  	_ =	swait.ge [sflag:s21], $0x2000  }
0x2e: {  	[sflag:s21] =	ssyncset.done $0x0  }
0x2f: {  	s13 =	rddreg [dreg:$0x4];
	[sflag:s21] =	ssyncadd.s32 $0xFFFFE000  }
0x30: {  	[spmem:s13] =	stream.linear.scatter [tilespmem:s20], [sflag:$0x5], $0x2000, $0x38;
	[tilespmem:$0x1CC00] =	vst v63  }
0x31: {  	_ =	swait.ge [sflag:s21], $0x2000  }
0x32: {  	[sflag:s21] =	ssyncset.done $0x0  }
0x33: {  	s14 =	rddreg [dreg:$0x5];
	[sflag:s21] =	ssyncadd.s32 $0xFFFFE000  }
0x34: {  	[spmem:s14] =	stream.linear.scatter [tilespmem:s20], [sflag:$0x5], $0x2000, $0x38;
	[tilespmem:$0x1CC00] =	vst v63  }
0x35: {  	_ =	swait.ge [sflag:s21], $0x2000  }
0x36: {  	[sflag:s21] =	ssyncset.done $0x0  }
0x37: {  	s15 =	rddreg [dreg:$0x6];
	[sflag:s21] =	ssyncadd.s32 $0xFFFFE000  }
0x38: {  	[spmem:s15] =	stream.linear.scatter [tilespmem:s20], [sflag:$0x5], $0x2000, $0x38;
	[tilespmem:$0x1CC00] =	vst v63  }
0x39: {  	_ =	swait.ge [sflag:s21], $0x2000  }
0x3a: {  	[sflag:s21] =	ssyncset.done $0x0  }
0x3b: {  	s16 =	rddreg [dreg:$0x7];
	[sflag:s21] =	ssyncadd.s32 $0xFFFFE000  }
0x3c: {  	[spmem:s16] =	stream.linear.scatter [tilespmem:s20], [sflag:$0x5], $0x2000, $0x38;
	[tilespmem:$0x1CC00] =	vst v63  }
0x3d: {  	_ =	swait.ge [sflag:s21], $0x2000  }
0x3e: {  	[sflag:s21] =	ssyncset.done $0x0  }
0x3f: {  	s13 =	rddreg [dreg:$0x8];
	[sflag:s21] =	ssyncadd.s32 $0xFFFFE000  }
0x40: {  	[spmem:s13] =	stream.linear.scatter [tilespmem:s20], [sflag:$0x5], $0x2000, $0x38;
	[tilespmem:$0x1CC00] =	vst v63  }
0x41: {  	_ =	swait.ge [sflag:s21], $0x2000  }
0x42: {  	[sflag:s21] =	ssyncset.done $0x0  }
0x43: {  	s14 =	rddreg [dreg:$0x9];
	[sflag:s21] =	ssyncadd.s32 $0xFFFFE000  }
0x44: {  	[spmem:s14] =	stream.linear.scatter [tilespmem:s20], [sflag:$0x5], $0x2000, $0x38;
	[tilespmem:$0x1CC00] =	vst v63  }
0x45: {  	_ =	swait.ge [sflag:s21], $0x2000  }
0x46: {  	[sflag:s21] =	ssyncset.done $0x0  }
0x47: {  	s15 =	rddreg [dreg:$0xa];
	[sflag:s21] =	ssyncadd.s32 $0xFFFFE000  }
0x48: {  	[spmem:s15] =	stream.linear.scatter [tilespmem:s20], [sflag:$0x5], $0x2000, $0x38;
	[tilespmem:$0x1CC00] =	vst v63  }
0x49: {  	_ =	swait.ge [sflag:s21], $0x2000  }
0x4a: {  	[sflag:s21] =	ssyncset.done $0x0  }
0x4b: {  	s16 =	rddreg [dreg:$0xb];
	[sflag:s21] =	ssyncadd.s32 $0xFFFFE000  }
0x4c: {  	[spmem:s16] =	stream.linear.scatter [tilespmem:s20], [sflag:$0x5], $0x1C00, $0x38;
	[tilespmem:$0x1CC00] =	vst v63  }
0x4d: {  	_ =	swait.ge [sflag:s21], $0x1C00  }
0x4e: {  	[sflag:s21] =	ssyncset.done $0x0  }
0x4f: {  	[sflag:s21] =	ssyncadd.s32 $0xFFFFE400  }
0x50: {  	s12 =	simm.s32 $0x0;
	s13 =	simm.s32 $0x0;
	[bflag:$0x0] =	sbarrier.arrive $0xFFFF  }
.LBB2_4:
0x51: {  	s14 =	sshll.u32 s13, $0xB  }
0x52: {  	s14 =	sadd.s32 s17, s14  }
0x53: {  	s14 =	sshrl.u32 s14, $0x3  }
0x54: {  	s15 =	sadd.s32 s5, s14  }
0x55: {  	[tilespmem:s12], [sflag:$0x5] =	stream.linear.gather [hbm4b:s15+s12], $0x800, $0x38;
	[tilespmem:$0x1CC00] =	vst v63  }
0x56: {  	_ =	swait.ge [sflag:s21], $0x800  }
0x57: {  	[sflag:s21] =	ssyncset.done $0x0  }
0x58: {  	s14 =	sadd.s32 s6, s14;
	[sflag:s21] =	ssyncadd.s32 $0xFFFFF800  }
0x59: {  	[tilespmem:s22], [sflag:$0x5] =	stream.linear.gather [hbm4b:s14+s12], $0x800, $0x38;
	[tilespmem:$0x1CC00] =	vst v63  }
0x5a: {  	_ =	swait.ge [sflag:s21], $0x800  }
0x5b: {  	[sflag:s21] =	ssyncset.done $0x0  }
0x5c: {  	[sflag:s21] =	ssyncadd.s32 $0xFFFFF800  }
0x5d: {  	[tilespmem:s20], [sflag:$0x1] =	stream.indirect.gather [hbm4b:s4+s23], $0x80, s12, s23, $0xb8;
	[tilespmem:$0x1CC00] =	vst v63  }
0x5e: {  	_ = 	snop  }
0x5f: {  	[tilespmem:s24], [sflag:$0x2] =	stream.indirect.gather [hbm4b:s4+s23], $0x80, s23, s23, $0xb8;
	[tilespmem:$0x1CC00] =	vst v63  }
0x60: {  	_ = 	snop  }
0x61: {  	[tilespmem:s26], [sflag:$0x3] =	stream.indirect.gather [hbm4b:s4+s23], $0x80, s25, s23, $0xb8;
	[tilespmem:$0x1CC00] =	vst v63  }
0x62: {  	_ = 	snop  }
0x63: {  	[tilespmem:s29], [sflag:$0x4] =	stream.indirect.gather [hbm4b:s4+s23], $0x80, s28, s23, $0xb8;
	[tilespmem:$0x1CC00] =	vst v63  }
0x64: {  	_ =	swait.ge [sflag:s30], $0x2000  }
0x65: {  	[sflag:s30] =	ssyncset.done $0x0  }
0x66: {  	s16 =	simm.s32 $0x800;
	[sflag:s30] =	ssyncadd.s32 $0xFFFFE000  }
0x67: {  	[spmem:s1] =	stream.indirect.scatter.add.f32 [tilespmem:s20], [sflag:$0x5], $0x80, s16, s23, $0xb8;
	[tilespmem:$0x1CC00] =	vst v63  }
0x68: {  	_ =	swait.ge [sflag:s21], $0x2000  }
0x69: {  	[sflag:s21] =	ssyncset.done $0x0  }
0x6a: {  	s15 =	simm.s32 $0x100;
	[sflag:s21] =	ssyncadd.s32 $0xFFFFE000  }
0x6b: {  	[tilespmem:s20], [sflag:$0x1] =	stream.indirect.gather [hbm4b:s4+s23], $0x80, s15, s23, $0xb8;
	[tilespmem:$0x1CC00] =	vst v63  }
0x6c: {  	_ =	swait.ge [sflag:s31], $0x2000  }
0x6d: {  	[sflag:s31] =	ssyncset.done $0x0  }
0x6e: {  	s16 =	simm.s32 $0x840;
	[sflag:s31] =	ssyncadd.s32 $0xFFFFE000  }
0x6f: {  	[spmem:s1] =	stream.indirect.scatter.add.f32 [tilespmem:s24], [sflag:$0x5], $0x80, s16, s23, $0xb8;
	[tilespmem:$0x1CC00] =	vst v63  }
0x70: {  	_ =	swait.ge [sflag:s21], $0x2000  }
0x71: {  	[sflag:s21] =	ssyncset.done $0x0  }
0x72: {  	s15 =	simm.s32 $0x140;
	[sflag:s21] =	ssyncadd.s32 $0xFFFFE000  }
0x73: {  	[tilespmem:s24], [sflag:$0x2] =	stream.indirect.gather [hbm4b:s4+s23], $0x80, s15, s23, $0xb8;
	[tilespmem:$0x1CC00] =	vst v63  }
0x74: {  	_ =	swait.ge [sflag:s0], $0x2000  }
0x75: {  	[sflag:s0] =	ssyncset.done $0x0  }
0x76: {  	s16 =	simm.s32 $0x880;
	[sflag:s0] =	ssyncadd.s32 $0xFFFFE000  }
0x77: {  	[spmem:s1] =	stream.indirect.scatter.add.f32 [tilespmem:s26], [sflag:$0x5], $0x80, s16, s23, $0xb8;
	[tilespmem:$0x1CC00] =	vst v63  }
0x78: {  	_ =	swait.ge [sflag:s21], $0x2000  }
0x79: {  	[sflag:s21] =	ssyncset.done $0x0  }
0x7a: {  	s15 =	simm.s32 $0x180;
	[sflag:s21] =	ssyncadd.s32 $0xFFFFE000  }
0x7b: {  	[tilespmem:s26], [sflag:$0x3] =	stream.indirect.gather [hbm4b:s4+s23], $0x80, s15, s23, $0xb8;
	[tilespmem:$0x1CC00] =	vst v63  }
0x7c: {  	_ =	swait.ge [sflag:s2], $0x2000  }
0x7d: {  	[sflag:s2] =	ssyncset.done $0x0  }
0x7e: {  	s16 =	simm.s32 $0x8C0;
	[sflag:s2] =	ssyncadd.s32 $0xFFFFE000  }
0x7f: {  	[spmem:s1] =	stream.indirect.scatter.add.f32 [tilespmem:s29], [sflag:$0x5], $0x80, s16, s23, $0xb8;
	[tilespmem:$0x1CC00] =	vst v63  }
0x80: {  	_ =	swait.ge [sflag:s21], $0x2000  }
0x81: {  	[sflag:s21] =	ssyncset.done $0x0  }
0x82: {  	s14 =	simm.s32 $0x400;
	s15 =	simm.s32 $0x1C0;
	[sflag:s21] =	ssyncadd.s32 $0xFFFFE000  }
.LBB2_5:
0x83: {  	[tilespmem:s29], [sflag:$0x4] =	stream.indirect.gather [hbm4b:s4+s23], $0x80, s15, s23, $0xb8;
	[tilespmem:$0x1CC00] =	vst v63  }
0x84: {  	s15 =	smov.u32 s14  }
0x85: {  	p0 =	sne.s32 s14, $0x1800;
	s14 =	sadd.s32 $0x400, s14;
	_ =	swait.ge [sflag:s30], $0x2000  }
0x86: {  	s15 =	sshra.s32 s15, $0x2;
	[sflag:s30] =	ssyncset.done $0x0  }
0x87: {  	s16 =	sadd.s32 $0x800, s15;
	[sflag:s30] =	ssyncadd.s32 $0xFFFFE000  }
0x88: {  	[spmem:s1] =	stream.indirect.scatter.add.f32 [tilespmem:s20], [sflag:$0x5], $0x80, s16, s23, $0xb8;
	[tilespmem:$0x1CC00] =	vst v63  }
0x89: {  	_ =	swait.ge [sflag:s21], $0x2000  }
0x8a: {  	[sflag:s21] =	ssyncset.done $0x0  }
0x8b: {  	s16 =	sadd.s32 $0x100, s15;
	[sflag:s21] =	ssyncadd.s32 $0xFFFFE000  }
0x8c: {  	[tilespmem:s20], [sflag:$0x1] =	stream.indirect.gather [hbm4b:s4+s23], $0x80, s16, s23, $0xb8;
	[tilespmem:$0x1CC00] =	vst v63  }
0x8d: {  	_ =	swait.ge [sflag:s31], $0x2000  }
0x8e: {  	[sflag:s31] =	ssyncset.done $0x0  }
0x8f: {  	s16 =	sadd.s32 $0x840, s15;
	[sflag:s31] =	ssyncadd.s32 $0xFFFFE000  }
0x90: {  	[spmem:s1] =	stream.indirect.scatter.add.f32 [tilespmem:s24], [sflag:$0x5], $0x80, s16, s23, $0xb8;
	[tilespmem:$0x1CC00] =	vst v63  }
0x91: {  	_ =	swait.ge [sflag:s21], $0x2000  }
0x92: {  	[sflag:s21] =	ssyncset.done $0x0  }
0x93: {  	s16 =	sadd.s32 $0x140, s15;
	[sflag:s21] =	ssyncadd.s32 $0xFFFFE000  }
0x94: {  	[tilespmem:s24], [sflag:$0x2] =	stream.indirect.gather [hbm4b:s4+s23], $0x80, s16, s23, $0xb8;
	[tilespmem:$0x1CC00] =	vst v63  }
0x95: {  	_ =	swait.ge [sflag:s0], $0x2000  }
0x96: {  	[sflag:s0] =	ssyncset.done $0x0  }
0x97: {  	s16 =	sadd.s32 $0x880, s15;
	[sflag:s0] =	ssyncadd.s32 $0xFFFFE000  }
0x98: {  	[spmem:s1] =	stream.indirect.scatter.add.f32 [tilespmem:s26], [sflag:$0x5], $0x80, s16, s23, $0xb8;
	[tilespmem:$0x1CC00] =	vst v63  }
0x99: {  	_ =	swait.ge [sflag:s21], $0x2000  }
0x9a: {  	[sflag:s21] =	ssyncset.done $0x0  }
0x9b: {  	s16 =	sadd.s32 $0x180, s15;
	[sflag:s21] =	ssyncadd.s32 $0xFFFFE000  }
0x9c: {  	[tilespmem:s26], [sflag:$0x3] =	stream.indirect.gather [hbm4b:s4+s23], $0x80, s16, s23, $0xb8;
	[tilespmem:$0x1CC00] =	vst v63  }
0x9d: {  	_ =	swait.ge [sflag:s2], $0x2000  }
0x9e: {  	[sflag:s2] =	ssyncset.done $0x0  }
.Ltmp1:
0x9f: {  	s16 =	sadd.s32 $0x8C0, s15;
	[sflag:s2] =	ssyncadd.s32 $0xFFFFE000;
	(pc) =	sbr.rel @p0 .LBB2_5-.Ltmp1, $4  }
0xa0: {  	[spmem:s1] =	stream.indirect.scatter.add.f32 [tilespmem:s29], [sflag:$0x5], $0x80, s16, s23, $0xb8;
	[tilespmem:$0x1CC00] =	vst v63  }
0xa1: {  	_ =	swait.ge [sflag:s21], $0x2000  }
0xa2: {  	[sflag:s21] =	ssyncset.done $0x0  }
0xa3: {  	s15 =	sadd.s32 $0x1C0, s15;
	[sflag:s21] =	ssyncadd.s32 $0xFFFFE000  }
0xa4: {  	[tilespmem:s29], [sflag:$0x4] =	stream.indirect.gather [hbm4b:s4+s23], $0x80, s15, s23, $0xb8;
	[tilespmem:$0x1CC00] =	vst v63  }
0xa5: {  	_ =	swait.ge [sflag:s30], $0x2000  }
0xa6: {  	[sflag:s30] =	ssyncset.done $0x0  }
0xa7: {  	[sflag:s30] =	ssyncadd.s32 $0xFFFFE000  }
0xa8: {  	[spmem:s1] =	stream.indirect.scatter.add.f32 [tilespmem:s20], [sflag:$0x5], $0x80, s8, s23, $0xb8;
	[tilespmem:$0x1CC00] =	vst v63  }
0xa9: {  	_ =	swait.ge [sflag:s21], $0x2000  }
0xaa: {  	[sflag:s21] =	ssyncset.done $0x0  }
0xab: {  	[sflag:s21] =	ssyncadd.s32 $0xFFFFE000  }
0xac: {  	_ =	swait.ge [sflag:s31], $0x2000  }
0xad: {  	[sflag:s31] =	ssyncset.done $0x0  }
0xae: {  	[sflag:s31] =	ssyncadd.s32 $0xFFFFE000  }
0xaf: {  	[spmem:s1] =	stream.indirect.scatter.add.f32 [tilespmem:s24], [sflag:$0x5], $0x80, s9, s23, $0xb8;
	[tilespmem:$0x1CC00] =	vst v63  }
0xb0: {  	_ =	swait.ge [sflag:s21], $0x2000  }
0xb1: {  	[sflag:s21] =	ssyncset.done $0x0  }
0xb2: {  	[sflag:s21] =	ssyncadd.s32 $0xFFFFE000  }
0xb3: {  	_ =	swait.ge [sflag:s0], $0x2000  }
0xb4: {  	[sflag:s0] =	ssyncset.done $0x0  }
0xb5: {  	[sflag:s0] =	ssyncadd.s32 $0xFFFFE000  }
0xb6: {  	[spmem:s1] =	stream.indirect.scatter.add.f32 [tilespmem:s26], [sflag:$0x5], $0x80, s10, s23, $0xb8;
	[tilespmem:$0x1CC00] =	vst v63  }
0xb7: {  	_ =	swait.ge [sflag:s21], $0x2000  }
0xb8: {  	[sflag:s21] =	ssyncset.done $0x0  }
0xb9: {  	[sflag:s21] =	ssyncadd.s32 $0xFFFFE000  }
0xba: {  	s13 =	sadd.s32 $0x1, s13;
	_ =	swait.ge [sflag:s2], $0x2000  }
0xbb: {  	p0 =	sne.s32 s13, $0x5;
	[sflag:s2] =	ssyncset.done $0x0  }
.Ltmp2:
0xbc: {  	[sflag:s2] =	ssyncadd.s32 $0xFFFFE000;
	(pc) =	sbr.rel @p0 .LBB2_4-.Ltmp2, $4  }
0xbd: {  	[spmem:s1] =	stream.indirect.scatter.add.f32 [tilespmem:s29], [sflag:$0x5], $0x80, s11, s23, $0xb8;
	[tilespmem:$0x1CC00] =	vst v63  }
0xbe: {  	_ =	swait.ge [sflag:s21], $0x2000  }
0xbf: {  	[sflag:s21] =	ssyncset.done $0x0  }
0xc0: {  	[sflag:s21] =	ssyncadd.s32 $0xFFFFE000  }
0xc1: {  	s12 =	stileid.u32;
	s3 =	sadd.s32 $0x1, s3  }
0xc2: {  	[bflag:$0x0] =	sbarrier.arrive $0xFFFF;
	s12 =	sshll.u32 s12, $0x6;
	p0 =	sne.s32 s3, s19  }
.Ltmp3:
0xc3: {  	s13 =	sshrl.u32 s7, $0x3;
	s12 =	sor.u32 $0x1C05, s12;
	(pc) =	sbr.rel @p0 .LBB2_1-.Ltmp3, $4  }
0xc4: {  	[hbm:s18], [sflag:s12] =	dma.local [spmem:s13], $0x2780  }
0xc5: {  	_ =	swait.ge [sflag:s21], $0x2780  }
0xc6: {  	[sflag:s21] =	ssyncset.done $0x0  }
0xc7: {  	[sflag:s21] =	ssyncadd.s32 $0xFFFFD880  }
0xc8: {  	_ =	sfence.sel $0x180000  }
0xc9: {  	[bflag:$0x0] =	sbarrier.arrive $0xFFFF  }
0xca: {  	_ =	strace $0x90000047  }
0xcb: {  	s0 =	stileid.u32;
	[bflag:$0x2] =	sbarrier.arrive $0xFFFF  }
0xcc: {  	p0 =	sne.s32 s0, $0x0;
	s0 =	rddreg [dreg:$0x2]  }
0xcd: {  	s0 =	sadd.s32 @!p0 $0x100000, s0  }
0xce: {  	[sflag:s0] =	ssyncadd.tile.s32 @!p0 $0x1;
	_ =	shalt  }
.Lfunc_end2:
_tile_overlayer_lowered:
.L_overlay_start_2:
0xcf: {  	(tag) =	ssettag $0x2  }
0xd0: {  	s0 =	rddreg [dreg:$0x0];
	s2 =	stileid.u32  }
0xd1: {  	s1 =	rddreg [dreg:$0x1];
	p0 =	sne.s32 s2, $0x0  }
0xd2: {  	s3 =	rddreg [dreg:$0x2];
	[bflag:$0x3] =	sbarrier.arrive $0xFFFF;
	s2 =	simm.s32 @!p0 $0x1C05  }
0xd3: {  	[timem:s3], [sflag:s2] =	dma.local @!p0 [hbm:s0], s1  }
0xd4: {  	s0 =	simm.s32 @!p0 $0x5  }
0xd5: {  	_ =	swait.ge @!p0 [sflag:s0], s1  }
0xd6: {  	s1 =	ssub.s32 @!p0 $0x0, s1;
	[sflag:s0] =	ssyncset.done @!p0 $0x0  }
0xd7: {  	[sflag:s0] =	ssyncadd.s32 @!p0 s1  }
0xd8: {  	[bflag:$0x3] =	sbarrier.arrive $0xFFFF  }
0xd9: {  	_ =	shalt  }

</sc_bundles>
